<compile_context>
chip_gen: v7x
topology: tpu7x:2x2x1
jax: 0.10.2.dev20260603
libtpu: 0.0.44.dev20260713+nightly
codegen_flags: <defaults>
</compile_context>

<pallas_src>
import jax
import jax.numpy as jnp
from jax import lax
from jax.experimental import pallas as pl
from jax.experimental.pallas import tpu as pltpu
from jax.experimental.pallas import tpu_sc as plsc

N = 100000
E = 1600000
B = 1024

N_PAD = 102400
NODE_PAD_BIN = 1025
NBINS = 2048

E_PAD = 1605632
BS_CE = 16384
BS_N = 2048

NC, NS = 2, 16
BONDS_PER_TILE = E // NS
CHUNK = 10000
NCHUNK_B = BONDS_PER_TILE // CHUNK
NODES_PER_TILE = N_PAD // NS


def _bond_ce_body(l0, l1, l2, l3, l4, tgt_ref, out_ref):
    cols = [l0[...], l1[...], l2[...], l3[...], l4[...]]
    t = tgt_ref[...]
    m = cols[0]
    for c in cols[1:]:
        m = jnp.maximum(m, c)
    se = jnp.zeros_like(m)
    picked = jnp.zeros_like(m)
    for ci, c in enumerate(cols):
        se = se + jnp.exp(c - m)
        picked = picked + jnp.where(t == ci, c, 0.0)
    out_ref[...] = m + jnp.log(se) - picked


def _bond_ce(cols, tgt):
    v = lambda: pl.BlockSpec((BS_CE,), lambda i: (i,))
    return pl.pallas_call(
        _bond_ce_body,
        grid=(E_PAD // BS_CE,),
        in_specs=[v() for _ in range(6)],
        out_specs=v(),
        out_shape=jax.ShapeDtypeStruct((E_PAD,), jnp.float32),
    )(*cols, tgt)


def _node_body(pc_ref, tc_ref, pa_ref, ta_ref, pch_ref, tch_ref, vm_ref,
               regr_ref, atoms_ref, charges_ref):
    vm = vm_ref[...]
    d = pc_ref[...] - tc_ref[...]
    regr = jnp.sum(d * d, axis=0) * (1.0 / 3.0)
    regr_ref[...] = regr * vm

    def ce(logits, tgt, ncls):
        m = jnp.max(logits, axis=0, keepdims=True)
        s = jnp.sum(jnp.exp(logits - m), axis=0, keepdims=True)
        lse = m + jnp.log(s)
        sel = lax.broadcasted_iota(jnp.int32, (ncls, BS_N), 0) == \
            tgt.reshape(1, BS_N)
        picked = jnp.sum(jnp.where(sel, logits, 0.0), axis=0, keepdims=True)
        return (lse - picked)[0]

    atoms_ref[...] = ce(pa_ref[...], ta_ref[...], 16) * vm
    charges_ref[...] = ce(pch_ref[...], tch_ref[...], 6) * vm


def _node_losses(pc_t, tc_t, pa_t, ta, pch_t, tch, vm):
    vec = lambda: pl.BlockSpec((BS_N,), lambda i: (i,))
    mat = lambda r: pl.BlockSpec((r, BS_N), lambda i: (0, i))
    return pl.pallas_call(
        _node_body,
        grid=(N_PAD // BS_N,),
        in_specs=[mat(3), mat(3), mat(16), vec(), mat(6), vec(), vec()],
        out_specs=[vec(), vec(), vec()],
        out_shape=[jax.ShapeDtypeStruct((N_PAD,), jnp.float32)] * 3,
    )(pc_t, tc_t, pa_t, ta, pch_t, tch, vm)


def _sc_body(ce_hbm, bidx_hbm, regr_hbm, atoms_hbm, charges_hbm, batch_hbm,
             w_hbm, zeros_hbm, ones_hbm, bonds_out, ncl_out,
             sp_s, sp_c, sp_g0, sp_g1, sp_g2, sp_gc,
             idx_a, idx_b, val_a, val_b, ones_v, nidx_v, nval_v, s_v, c_v,
             w_v, g_v, gc_v, o_v, semi0, semi1, semv0, semv1):
    cid = lax.axis_index("c")
    sid = lax.axis_index("s")

    nb = sid * NODES_PER_TILE
    pltpu.sync_copy(zeros_hbm.at[pl.ds(nb, NODES_PER_TILE)],
                    sp_s.at[pl.ds(nb, NODES_PER_TILE)])
    pltpu.sync_copy(zeros_hbm.at[pl.ds(nb, NODES_PER_TILE)],
                    sp_c.at[pl.ds(nb, NODES_PER_TILE)])

    @pl.when(sid == 0)
    def _zero_bins():
        pltpu.sync_copy(zeros_hbm.at[pl.ds(0, NBINS)], sp_g0)
        pltpu.sync_copy(zeros_hbm.at[pl.ds(0, NBINS)], sp_g1)
        pltpu.sync_copy(zeros_hbm.at[pl.ds(0, NBINS)], sp_g2)
        pltpu.sync_copy(zeros_hbm.at[pl.ds(0, NBINS)], sp_gc)

    pltpu.sync_copy(ones_hbm, ones_v)
    plsc.subcore_barrier()

    @pl.when(cid == 0)
    def _bond_scatter():
        semi = (semi0, semi1)
        semv = (semv0, semv1)
        idxb = (idx_a, idx_b)
        valb = (val_a, val_b)
        descs = [None, None]

        def start(k):
            b = k % 2
            off = sid * BONDS_PER_TILE + k * CHUNK
            descs[b] = (
                pltpu.async_copy(bidx_hbm.at[pl.ds(off, CHUNK)],
                                 idxb[b], semi[b]),
                pltpu.async_copy(ce_hbm.at[pl.ds(off, CHUNK)],
                                 valb[b], semv[b]),
            )

        start(0)
        for k in range(NCHUNK_B):
            b = k % 2
            descs[b][0].wait()
            descs[b][1].wait()
            if k + 1 < NCHUNK_B:
                start(k + 1)
            pltpu.sync_copy(valb[b], sp_s.at[idxb[b]], add=True)
            pltpu.sync_copy(ones_v, sp_c.at[idxb[b]], add=True)

    @pl.when(cid == 1)
    def _node_scatter():
        base = sid * NODES_PER_TILE
        pltpu.sync_copy(batch_hbm.at[pl.ds(base, NODES_PER_TILE)], nidx_v)
        pltpu.sync_copy(regr_hbm.at[pl.ds(base, NODES_PER_TILE)], nval_v)
        pltpu.sync_copy(nval_v, sp_g0.at[nidx_v], add=True)
        pltpu.sync_copy(atoms_hbm.at[pl.ds(base, NODES_PER_TILE)], nval_v)
        pltpu.sync_copy(nval_v, sp_g1.at[nidx_v], add=True)
        pltpu.sync_copy(charges_hbm.at[pl.ds(base, NODES_PER_TILE)], nval_v)
        pltpu.sync_copy(nval_v, sp_g2.at[nidx_v], add=True)
        pltpu.sync_copy(ones_v.at[pl.ds(0, NODES_PER_TILE)],
                        sp_gc.at[nidx_v], add=True)

    plsc.subcore_barrier()

    @pl.when(cid == 0)
    def _bonds_per_atom():
        base = sid * NODES_PER_TILE
        pltpu.sync_copy(sp_s.at[pl.ds(base, NODES_PER_TILE)], s_v)
        pltpu.sync_copy(sp_c.at[pl.ds(base, NODES_PER_TILE)], c_v)

        def div_step(j, _):
            s = s_v[pl.ds(j * 16, 16)]
            c = c_v[pl.ds(j * 16, 16)]
            s_v[pl.ds(j * 16, 16)] = 0.5 * s / jnp.maximum(c, 1.0)
            return 0

        lax.fori_loop(0, NODES_PER_TILE // 16, div_step, 0)
        pltpu.sync_copy(batch_hbm.at[pl.ds(base, NODES_PER_TILE)], nidx_v)
        pltpu.sync_copy(s_v, sp_g0.at[nidx_v], add=True)
        pltpu.sync_copy(ones_v.at[pl.ds(0, NODES_PER_TILE)],
                        sp_gc.at[nidx_v], add=True)

    plsc.subcore_barrier()

    def weighted_total(g_ref):
        pltpu.sync_copy(g_ref.at[pl.ds(0, B)], g_v)

        def red_step(j, acc):
            s = g_v[pl.ds(j * 16, 16)]
            c = gc_v[pl.ds(j * 16, 16)]
            w = w_v[pl.ds(j * 16, 16)]
            pg = s / jnp.maximum(c, 1.0)
            contrib = jnp.where(pg != pg, 0.0, pg * w)
            return acc + contrib

        return lax.fori_loop(0, B // 16, red_step,
                             jnp.zeros((16,), jnp.float32))

    @pl.when(jnp.logical_and(cid == 0, sid == 0))
    def _fin_bonds():
        pltpu.sync_copy(w_hbm, w_v)
        pltpu.sync_copy(sp_gc.at[pl.ds(0, B)], gc_v)
        o_v[pl.ds(0, 16)] = weighted_total(sp_g0)
        pltpu.sync_copy(o_v.at[pl.ds(0, 16)], bonds_out)

    @pl.when(jnp.logical_and(cid == 1, sid == 0))
    def _fin_nodes():
        pltpu.sync_copy(w_hbm, w_v)
        pltpu.sync_copy(sp_gc.at[pl.ds(0, B)], gc_v)
        o_v[pl.ds(0, 16)] = weighted_total(sp_g0)
        o_v[pl.ds(16, 16)] = weighted_total(sp_g1)
        o_v[pl.ds(32, 16)] = weighted_total(sp_g2)
        pltpu.sync_copy(o_v, ncl_out)


def _sc_reduce(ce, bidx, regr_m, atoms_m, charges_m, batch_p, weights,
               zeros_in, ones_in):
    f32 = jnp.float32
    mesh = plsc.VectorSubcoreMesh(core_axis_name="c", subcore_axis_name="s")
    k = pl.kernel(
        _sc_body,
        out_type=(jax.ShapeDtypeStruct((16,), f32),
                  jax.ShapeDtypeStruct((48,), f32)),
        mesh=mesh,
        scratch_types=[
            pltpu.VMEM_SHARED((N_PAD,), f32),
            pltpu.VMEM_SHARED((N_PAD,), f32),
            pltpu.VMEM_SHARED((NBINS,), f32),
            pltpu.VMEM_SHARED((NBINS,), f32),
            pltpu.VMEM_SHARED((NBINS,), f32),
            pltpu.VMEM_SHARED((NBINS,), f32),
            pltpu.VMEM((CHUNK,), jnp.int32),
            pltpu.VMEM((CHUNK,), jnp.int32),
            pltpu.VMEM((CHUNK,), f32),
            pltpu.VMEM((CHUNK,), f32),
            pltpu.VMEM((CHUNK,), f32),
            pltpu.VMEM((NODES_PER_TILE,), jnp.int32),
            pltpu.VMEM((NODES_PER_TILE,), f32),
            pltpu.VMEM((NODES_PER_TILE,), f32),
            pltpu.VMEM((NODES_PER_TILE,), f32),
            pltpu.VMEM((B,), f32),
            pltpu.VMEM((B,), f32),
            pltpu.VMEM((B,), f32),
            pltpu.VMEM((48,), f32),
            pltpu.SemaphoreType.DMA,
            pltpu.SemaphoreType.DMA,
            pltpu.SemaphoreType.DMA,
            pltpu.SemaphoreType.DMA,
        ],
    )
    return k(ce, bidx, regr_m, atoms_m, charges_m, batch_p, weights,
             zeros_in, ones_in)


def kernel(true_coords, pred_coords, pred_atoms, true_atoms, pred_charges,
           true_charges, pred_bonds, true_bonds, batch,
           bond_aggregation_index, variable_mask, weights):
    f32 = jnp.float32
    P = N_PAD - N
    padv = lambda x, v=0: jnp.pad(x, (0, P), constant_values=v)
    padm = lambda x: jnp.pad(x, ((0, 0), (0, P)))

    pc_t = padm(pred_coords.T.astype(f32))
    tc_t = padm(true_coords.T.astype(f32))
    pa_t = padm(pred_atoms.T.astype(f32))
    pch_t = padm(pred_charges.T.astype(f32))
    ta = padv(true_atoms.astype(jnp.int32))
    tch = padv(true_charges.astype(jnp.int32))
    vm = padv(variable_mask.astype(f32))
    batch_p = padv(batch.astype(jnp.int32), NODE_PAD_BIN)
    bidx = bond_aggregation_index.astype(jnp.int32)

    cols = [jnp.pad(pred_bonds[:, c].astype(f32), (0, E_PAD - E))
            for c in range(5)]
    tbp = jnp.pad(true_bonds.astype(jnp.int32), (0, E_PAD - E))
    ce = _bond_ce(cols, tbp)
    regr_m, atoms_m, charges_m = _node_losses(pc_t, tc_t, pa_t, ta, pch_t,
                                              tch, vm)

    zeros_in = jnp.zeros((N_PAD,), f32)
    ones_in = jnp.ones((CHUNK,), f32)
    bonds16, ncl48 = _sc_reduce(ce, bidx, regr_m, atoms_m, charges_m,
                                batch_p, weights.astype(f32), zeros_in,
                                ones_in)
    return jnp.stack([jnp.sum(ncl48[0:16]), jnp.sum(ncl48[16:32]),
                      jnp.sum(ncl48[32:48]), jnp.sum(bonds16)])

# --- scband reference (transcript-rebuilt; emitter-appended) ---
"""Pipeline reference for scband-diffusion-loss-55783035240743 (READ-ONLY COPY).

The authoritative reference and input builder live on the scoring server;
editing this copy changes nothing except your own understanding.
"""

import jax, jax.numpy as jnp
import numpy as np

N = 100000
E = 1600000
B = 1024


def _scatter_mean(vals, idx, num_segments):
    s = jax.ops.segment_sum(vals, idx, num_segments=num_segments)
    c = jax.ops.segment_sum(jnp.ones_like(vals), idx, num_segments=num_segments)
    return s / jnp.clip(c, 1.0, None)


def _cross_entropy(logits, targets):
    logp = jax.nn.log_softmax(logits, axis=-1)
    return -jnp.take_along_axis(logp, targets[:, None], axis=-1)[:, 0]


def _aggregate(loss, weights, batch, num_graphs, variable_mask=None):
    if variable_mask is None:
        variable_mask = jnp.ones_like(loss)
    loss = variable_mask * loss
    per_graph = _scatter_mean(loss, batch, num_graphs)
    m = jnp.isnan(per_graph)
    per_graph = jnp.where(m, 0.0, per_graph)
    w = jnp.where(m, 0.0, weights)
    return jnp.sum(per_graph * w)


def setup_inputs(seed: int = 0) -> dict:
    key = jax.random.key(seed)
    ks = jax.random.split(key, 12)
    true_coords = jax.random.normal(ks[0], (N, 3), dtype=jnp.float32)
    pred_coords = jax.random.normal(ks[1], (N, 3), dtype=jnp.float32)
    pred_atoms = jax.random.normal(ks[2], (N, 16), dtype=jnp.float32)
    true_atoms = jax.random.randint(ks[3], (N,), 0, 16)
    pred_charges = jax.random.normal(ks[4], (N, 6), dtype=jnp.float32)
    true_charges = jax.random.randint(ks[5], (N,), 0, 6)
    pred_bonds = jax.random.normal(ks[6], (E, 5), dtype=jnp.float32)
    true_bonds = jax.random.randint(ks[7], (E,), 0, 5)
    batch = jnp.sort(jax.random.randint(ks[8], (N,), 0, B))
    bond_aggregation_index = jnp.sort(jax.random.randint(ks[9], (E,), 0, N))
    variable_mask = jnp.ones((N,), dtype=jnp.float32)
    weights = jax.random.uniform(ks[10], (B,), dtype=jnp.float32)
    return {
        'true_coords': true_coords,
        'pred_coords': pred_coords,
        'pred_atoms': pred_atoms,
        'true_atoms': true_atoms,
        'pred_charges': pred_charges,
        'true_charges': true_charges,
        'pred_bonds': pred_bonds,
        'true_bonds': true_bonds,
        'batch': batch,
        'bond_aggregation_index': bond_aggregation_index,
        'variable_mask': variable_mask,
        'weights': weights,
    }


def reference(true_coords, pred_coords, pred_atoms, true_atoms, pred_charges,
              true_charges, pred_bonds, true_bonds, batch,
              bond_aggregation_index, variable_mask, weights):
    # regression (coords), MSE per node, mean over xyz
    regr = jnp.mean(jnp.square(pred_coords - true_coords), axis=-1)
    regr_loss = _aggregate(regr, weights, batch, B, variable_mask)
    # atoms cross entropy per node
    atoms = _cross_entropy(pred_atoms, true_atoms)
    atoms_loss = _aggregate(atoms, weights, batch, B, variable_mask)
    # charges cross entropy per node
    charges = _cross_entropy(pred_charges, true_charges)
    charges_loss = _aggregate(charges, weights, batch, B, variable_mask)
    # bonds cross entropy per bond, scatter_mean onto atoms, then per-graph aggregate
    bonds = _cross_entropy(pred_bonds, true_bonds)
    bonds_per_atom = 0.5 * _scatter_mean(bonds, bond_aggregation_index, N)
    bonds_loss = _aggregate(bonds_per_atom, weights, batch, B, None)
    return jnp.stack([regr_loss, atoms_loss, charges_loss, bonds_loss])

if __name__ == "__main__":
    import jax
    _d = setup_inputs()
    print(jax.jit(kernel)(*tuple(_d.values())))

</pallas_src>

<mosaic_0001>
#map = affine_map<(d0, d1) -> (0)>
module attributes {stable_mosaic.version = 14 : i64} {
  func.func @_sc_body(%arg0: i32, %arg1: i32, %arg2: memref<1605632xf32, #tpu.memory_space<hbm>>, %arg3: memref<1600000xi32, #tpu.memory_space<hbm>>, %arg4: memref<102400xf32, #tpu.memory_space<hbm>>, %arg5: memref<102400xf32, #tpu.memory_space<hbm>>, %arg6: memref<102400xf32, #tpu.memory_space<hbm>>, %arg7: memref<102400xi32, #tpu.memory_space<hbm>>, %arg8: memref<1024xf32, #tpu.memory_space<hbm>>, %arg9: memref<102400xf32, #tpu.memory_space<hbm>>, %arg10: memref<10000xf32, #tpu.memory_space<hbm>>, %arg11: memref<16xf32, #tpu.memory_space<hbm>>, %arg12: memref<48xf32, #tpu.memory_space<hbm>>, %arg13: memref<102400xf32, #tpu.memory_space<vmem_shared>>, %arg14: memref<102400xf32, #tpu.memory_space<vmem_shared>>, %arg15: memref<2048xf32, #tpu.memory_space<vmem_shared>>, %arg16: memref<2048xf32, #tpu.memory_space<vmem_shared>>, %arg17: memref<2048xf32, #tpu.memory_space<vmem_shared>>, %arg18: memref<2048xf32, #tpu.memory_space<vmem_shared>>, %arg19: memref<10000xi32, #tpu.memory_space<vmem>>, %arg20: memref<10000xi32, #tpu.memory_space<vmem>>, %arg21: memref<10000xf32, #tpu.memory_space<vmem>>, %arg22: memref<10000xf32, #tpu.memory_space<vmem>>, %arg23: memref<10000xf32, #tpu.memory_space<vmem>>, %arg24: memref<6400xi32, #tpu.memory_space<vmem>>, %arg25: memref<6400xf32, #tpu.memory_space<vmem>>, %arg26: memref<6400xf32, #tpu.memory_space<vmem>>, %arg27: memref<6400xf32, #tpu.memory_space<vmem>>, %arg28: memref<1024xf32, #tpu.memory_space<vmem>>, %arg29: memref<1024xf32, #tpu.memory_space<vmem>>, %arg30: memref<1024xf32, #tpu.memory_space<vmem>>, %arg31: memref<48xf32, #tpu.memory_space<vmem>>, %arg32: memref<!tpu.dma_semaphore, #tpu.memory_space<semaphore_mem>>, %arg33: memref<!tpu.dma_semaphore, #tpu.memory_space<semaphore_mem>>, %arg34: memref<!tpu.dma_semaphore, #tpu.memory_space<semaphore_mem>>, %arg35: memref<!tpu.dma_semaphore, #tpu.memory_space<semaphore_mem>>) attributes {dimension_semantics = [#tpu.dimension_semantics<core_parallel>, #tpu.dimension_semantics<subcore_parallel>], iteration_bounds = array<i64: 2, 16>, scalar_prefetch = 0 : i64, scratch_operands = 23 : i64, tpu.core_type = #tpu.core_type<sc_vector_subcore>, window_params = [{transform_indices = #map}, {transform_indices = #map}, {transform_indices = #map}, {transform_indices = #map}, {transform_indices = #map}, {transform_indices = #map}, {transform_indices = #map}, {transform_indices = #map}, {transform_indices = #map}, {transform_indices = #map}, {transform_indices = #map}]} {
    %mul3A = arith.constant 6400 : i32
    %mul3A_0 = arith.muli %arg1, %mul3A : i32
    "tpu.region"() ({
      %run_scoped3A = tpu.sem_alloc : memref<!tpu.dma_semaphore, #tpu.memory_space<semaphore_mem>>
      %dma_start3A = tpu.memref_slice %arg13[%mul3A_0] : memref<102400xf32, #tpu.memory_space<vmem_shared>> -> memref<6400xf32, #tpu.memory_space<vmem_shared>>
      %dma_start3A_35 = tpu.memref_slice %arg9[%mul3A_0] : memref<102400xf32, #tpu.memory_space<hbm>> -> memref<6400xf32, #tpu.memory_space<hbm>>
      tpu.enqueue_dma source(%dma_start3A_35 : memref<6400xf32, #tpu.memory_space<hbm>>) target(%dma_start3A : memref<6400xf32, #tpu.memory_space<vmem_shared>>) target_semaphore(%run_scoped3A : memref<!tpu.dma_semaphore, #tpu.memory_space<semaphore_mem>>)
      %dma_wait3A = tpu.memref_slice %arg13[%mul3A_0] : memref<102400xf32, #tpu.memory_space<vmem_shared>> -> memref<6400xf32, #tpu.memory_space<vmem_shared>>
      %dma_wait3A_36 = tpu.memref_slice %arg9[%mul3A_0] : memref<102400xf32, #tpu.memory_space<hbm>> -> memref<6400xf32, #tpu.memory_space<hbm>>
      tpu.wait_dma2 semaphore(%run_scoped3A : memref<!tpu.dma_semaphore, #tpu.memory_space<semaphore_mem>>) src(%dma_wait3A_36 : memref<6400xf32, #tpu.memory_space<hbm>>) dst(%dma_wait3A : memref<6400xf32, #tpu.memory_space<vmem_shared>>)
      tpu.yield
    }) : () -> ()
    "tpu.region"() ({
      %run_scoped3A = tpu.sem_alloc : memref<!tpu.dma_semaphore, #tpu.memory_space<semaphore_mem>>
      %dma_start3A = tpu.memref_slice %arg14[%mul3A_0] : memref<102400xf32, #tpu.memory_space<vmem_shared>> -> memref<6400xf32, #tpu.memory_space<vmem_shared>>
      %dma_start3A_35 = tpu.memref_slice %arg9[%mul3A_0] : memref<102400xf32, #tpu.memory_space<hbm>> -> memref<6400xf32, #tpu.memory_space<hbm>>
      tpu.enqueue_dma source(%dma_start3A_35 : memref<6400xf32, #tpu.memory_space<hbm>>) target(%dma_start3A : memref<6400xf32, #tpu.memory_space<vmem_shared>>) target_semaphore(%run_scoped3A : memref<!tpu.dma_semaphore, #tpu.memory_space<semaphore_mem>>)
      %dma_wait3A = tpu.memref_slice %arg14[%mul3A_0] : memref<102400xf32, #tpu.memory_space<vmem_shared>> -> memref<6400xf32, #tpu.memory_space<vmem_shared>>
      %dma_wait3A_36 = tpu.memref_slice %arg9[%mul3A_0] : memref<102400xf32, #tpu.memory_space<hbm>> -> memref<6400xf32, #tpu.memory_space<hbm>>
      tpu.wait_dma2 semaphore(%run_scoped3A : memref<!tpu.dma_semaphore, #tpu.memory_space<semaphore_mem>>) src(%dma_wait3A_36 : memref<6400xf32, #tpu.memory_space<hbm>>) dst(%dma_wait3A : memref<6400xf32, #tpu.memory_space<vmem_shared>>)
      tpu.yield
    }) : () -> ()
    %eq3A = arith.constant 0 : i32
    %eq3A_1 = arith.cmpi eq, %arg1, %eq3A : i32
    %convert_element_type3A = arith.extui %eq3A_1 : i1 to i32
    %cond3A = arith.constant 0 : i32
    %cond3A_2 = arith.cmpi ne, %convert_element_type3A, %cond3A : i32
    scf.if %cond3A_2 {
      "tpu.region"() ({
        %run_scoped3A = tpu.sem_alloc : memref<!tpu.dma_semaphore, #tpu.memory_space<semaphore_mem>>
        %dma_start3A = arith.constant 0 : i32
        %dma_start3A_35 = tpu.memref_slice %arg9[%dma_start3A] : memref<102400xf32, #tpu.memory_space<hbm>> -> memref<2048xf32, #tpu.memory_space<hbm>>
        tpu.enqueue_dma source(%dma_start3A_35 : memref<2048xf32, #tpu.memory_space<hbm>>) target(%arg15 : memref<2048xf32, #tpu.memory_space<vmem_shared>>) target_semaphore(%run_scoped3A : memref<!tpu.dma_semaphore, #tpu.memory_space<semaphore_mem>>)
        %dma_wait3A = arith.constant 0 : i32
        %dma_wait3A_36 = tpu.memref_slice %arg9[%dma_wait3A] : memref<102400xf32, #tpu.memory_space<hbm>> -> memref<2048xf32, #tpu.memory_space<hbm>>
        tpu.wait_dma2 semaphore(%run_scoped3A : memref<!tpu.dma_semaphore, #tpu.memory_space<semaphore_mem>>) src(%dma_wait3A_36 : memref<2048xf32, #tpu.memory_space<hbm>>) dst(%arg15 : memref<2048xf32, #tpu.memory_space<vmem_shared>>)
        tpu.yield
      }) : () -> ()
      "tpu.region"() ({
        %run_scoped3A = tpu.sem_alloc : memref<!tpu.dma_semaphore, #tpu.memory_space<semaphore_mem>>
        %dma_start3A = arith.constant 0 : i32
        %dma_start3A_35 = tpu.memref_slice %arg9[%dma_start3A] : memref<102400xf32, #tpu.memory_space<hbm>> -> memref<2048xf32, #tpu.memory_space<hbm>>
        tpu.enqueue_dma source(%dma_start3A_35 : memref<2048xf32, #tpu.memory_space<hbm>>) target(%arg16 : memref<2048xf32, #tpu.memory_space<vmem_shared>>) target_semaphore(%run_scoped3A : memref<!tpu.dma_semaphore, #tpu.memory_space<semaphore_mem>>)
        %dma_wait3A = arith.constant 0 : i32
        %dma_wait3A_36 = tpu.memref_slice %arg9[%dma_wait3A] : memref<102400xf32, #tpu.memory_space<hbm>> -> memref<2048xf32, #tpu.memory_space<hbm>>
        tpu.wait_dma2 semaphore(%run_scoped3A : memref<!tpu.dma_semaphore, #tpu.memory_space<semaphore_mem>>) src(%dma_wait3A_36 : memref<2048xf32, #tpu.memory_space<hbm>>) dst(%arg16 : memref<2048xf32, #tpu.memory_space<vmem_shared>>)
        tpu.yield
      }) : () -> ()
      "tpu.region"() ({
        %run_scoped3A = tpu.sem_alloc : memref<!tpu.dma_semaphore, #tpu.memory_space<semaphore_mem>>
        %dma_start3A = arith.constant 0 : i32
        %dma_start3A_35 = tpu.memref_slice %arg9[%dma_start3A] : memref<102400xf32, #tpu.memory_space<hbm>> -> memref<2048xf32, #tpu.memory_space<hbm>>
        tpu.enqueue_dma source(%dma_start3A_35 : memref<2048xf32, #tpu.memory_space<hbm>>) target(%arg17 : memref<2048xf32, #tpu.memory_space<vmem_shared>>) target_semaphore(%run_scoped3A : memref<!tpu.dma_semaphore, #tpu.memory_space<semaphore_mem>>)
        %dma_wait3A = arith.constant 0 : i32
        %dma_wait3A_36 = tpu.memref_slice %arg9[%dma_wait3A] : memref<102400xf32, #tpu.memory_space<hbm>> -> memref<2048xf32, #tpu.memory_space<hbm>>
        tpu.wait_dma2 semaphore(%run_scoped3A : memref<!tpu.dma_semaphore, #tpu.memory_space<semaphore_mem>>) src(%dma_wait3A_36 : memref<2048xf32, #tpu.memory_space<hbm>>) dst(%arg17 : memref<2048xf32, #tpu.memory_space<vmem_shared>>)
        tpu.yield
      }) : () -> ()
      "tpu.region"() ({
        %run_scoped3A = tpu.sem_alloc : memref<!tpu.dma_semaphore, #tpu.memory_space<semaphore_mem>>
        %dma_start3A = arith.constant 0 : i32
        %dma_start3A_35 = tpu.memref_slice %arg9[%dma_start3A] : memref<102400xf32, #tpu.memory_space<hbm>> -> memref<2048xf32, #tpu.memory_space<hbm>>
        tpu.enqueue_dma source(%dma_start3A_35 : memref<2048xf32, #tpu.memory_space<hbm>>) target(%arg18 : memref<2048xf32, #tpu.memory_space<vmem_shared>>) target_semaphore(%run_scoped3A : memref<!tpu.dma_semaphore, #tpu.memory_space<semaphore_mem>>)
        %dma_wait3A = arith.constant 0 : i32
        %dma_wait3A_36 = tpu.memref_slice %arg9[%dma_wait3A] : memref<102400xf32, #tpu.memory_space<hbm>> -> memref<2048xf32, #tpu.memory_space<hbm>>
        tpu.wait_dma2 semaphore(%run_scoped3A : memref<!tpu.dma_semaphore, #tpu.memory_space<semaphore_mem>>) src(%dma_wait3A_36 : memref<2048xf32, #tpu.memory_space<hbm>>) dst(%arg18 : memref<2048xf32, #tpu.memory_space<vmem_shared>>)
        tpu.yield
      }) : () -> ()
    } else {
    }
    "tpu.region"() ({
      %run_scoped3A = tpu.sem_alloc : memref<!tpu.dma_semaphore, #tpu.memory_space<semaphore_mem>>
      tpu.enqueue_dma source(%arg10 : memref<10000xf32, #tpu.memory_space<hbm>>) target(%arg23 : memref<10000xf32, #tpu.memory_space<vmem>>) target_semaphore(%run_scoped3A : memref<!tpu.dma_semaphore, #tpu.memory_space<semaphore_mem>>)
      tpu.wait_dma2 semaphore(%run_scoped3A : memref<!tpu.dma_semaphore, #tpu.memory_space<semaphore_mem>>) src(%arg10 : memref<10000xf32, #tpu.memory_space<hbm>>) dst(%arg23 : memref<10000xf32, #tpu.memory_space<vmem>>)
      tpu.yield
    }) : () -> ()
    %barrier3A = arith.constant 0 : index
    tpu.barrier barrier_id(%barrier3A)
    %eq3A_3 = arith.constant 0 : i32
    %eq3A_4 = arith.cmpi eq, %arg0, %eq3A_3 : i32
    %convert_element_type3A_5 = arith.extui %eq3A_4 : i1 to i32
    %cond3A_6 = arith.constant 0 : i32
    %cond3A_7 = arith.cmpi ne, %convert_element_type3A_5, %cond3A_6 : i32
    scf.if %cond3A_7 {
      %mul3A_35 = arith.constant 100000 : i32
      %mul3A_36 = arith.muli %arg1, %mul3A_35 : i32
      %add3A = arith.constant 0 : i32
      %add3A_37 = arith.addi %mul3A_36, %add3A : i32
      %dma_start3A = tpu.memref_slice %arg3[%add3A_37] : memref<1600000xi32, #tpu.memory_space<hbm>> -> memref<10000xi32, #tpu.memory_space<hbm>>
      %dma_start3A_38 = tpu.memref_slice %arg3[%add3A_37] : memref<1600000xi32, #tpu.memory_space<hbm>> -> memref<10000xi32, #tpu.memory_space<hbm>>
      tpu.enqueue_dma source(%dma_start3A_38 : memref<10000xi32, #tpu.memory_space<hbm>>) target(%arg19 : memref<10000xi32, #tpu.memory_space<vmem>>) target_semaphore(%arg32 : memref<!tpu.dma_semaphore, #tpu.memory_space<semaphore_mem>>)
      %dma_start3A_39 = tpu.memref_slice %arg2[%add3A_37] : memref<1605632xf32, #tpu.memory_space<hbm>> -> memref<10000xf32, #tpu.memory_space<hbm>>
      %dma_start3A_40 = tpu.memref_slice %arg2[%add3A_37] : memref<1605632xf32, #tpu.memory_space<hbm>> -> memref<10000xf32, #tpu.memory_space<hbm>>
      tpu.enqueue_dma source(%dma_start3A_40 : memref<10000xf32, #tpu.memory_space<hbm>>) target(%arg21 : memref<10000xf32, #tpu.memory_space<vmem>>) target_semaphore(%arg34 : memref<!tpu.dma_semaphore, #tpu.memory_space<semaphore_mem>>)
      %dma_wait3A = tpu.memref_slice %arg3[%add3A_37] : memref<1600000xi32, #tpu.memory_space<hbm>> -> memref<10000xi32, #tpu.memory_space<hbm>>
      %dma_wait3A_41 = tpu.memref_slice %arg3[%add3A_37] : memref<1600000xi32, #tpu.memory_space<hbm>> -> memref<10000xi32, #tpu.memory_space<hbm>>
      tpu.wait_dma2 semaphore(%arg32 : memref<!tpu.dma_semaphore, #tpu.memory_space<semaphore_mem>>) src(%dma_wait3A_41 : memref<10000xi32, #tpu.memory_space<hbm>>) dst(%arg19 : memref<10000xi32, #tpu.memory_space<vmem>>)
      %dma_wait3A_42 = tpu.memref_slice %arg2[%add3A_37] : memref<1605632xf32, #tpu.memory_space<hbm>> -> memref<10000xf32, #tpu.memory_space<hbm>>
      %dma_wait3A_43 = tpu.memref_slice %arg2[%add3A_37] : memref<1605632xf32, #tpu.memory_space<hbm>> -> memref<10000xf32, #tpu.memory_space<hbm>>
      tpu.wait_dma2 semaphore(%arg34 : memref<!tpu.dma_semaphore, #tpu.memory_space<semaphore_mem>>) src(%dma_wait3A_43 : memref<10000xf32, #tpu.memory_space<hbm>>) dst(%arg21 : memref<10000xf32, #tpu.memory_space<vmem>>)
      %mul3A_44 = arith.constant 100000 : i32
      %mul3A_45 = arith.muli %arg1, %mul3A_44 : i32
      %add3A_46 = arith.constant 10000 : i32
      %add3A_47 = arith.addi %mul3A_45, %add3A_46 : i32
      %dma_start3A_48 = tpu.memref_slice %arg3[%add3A_47] : memref<1600000xi32, #tpu.memory_space<hbm>> -> memref<10000xi32, #tpu.memory_space<hbm>>
      %dma_start3A_49 = tpu.memref_slice %arg3[%add3A_47] : memref<1600000xi32, #tpu.memory_space<hbm>> -> memref<10000xi32, #tpu.memory_space<hbm>>
      tpu.enqueue_dma source(%dma_start3A_49 : memref<10000xi32, #tpu.memory_space<hbm>>) target(%arg20 : memref<10000xi32, #tpu.memory_space<vmem>>) target_semaphore(%arg33 : memref<!tpu.dma_semaphore, #tpu.memory_space<semaphore_mem>>)
      %dma_start3A_50 = tpu.memref_slice %arg2[%add3A_47] : memref<1605632xf32, #tpu.memory_space<hbm>> -> memref<10000xf32, #tpu.memory_space<hbm>>
      %dma_start3A_51 = tpu.memref_slice %arg2[%add3A_47] : memref<1605632xf32, #tpu.memory_space<hbm>> -> memref<10000xf32, #tpu.memory_space<hbm>>
      tpu.enqueue_dma source(%dma_start3A_51 : memref<10000xf32, #tpu.memory_space<hbm>>) target(%arg22 : memref<10000xf32, #tpu.memory_space<vmem>>) target_semaphore(%arg35 : memref<!tpu.dma_semaphore, #tpu.memory_space<semaphore_mem>>)
      "tpu.region"() ({
        %run_scoped3A = tpu.sem_alloc : memref<!tpu.dma_semaphore, #tpu.memory_space<semaphore_mem>>
        %dma_start3A_152 = arith.constant 0 : i32
        %dma_start3A_153 = tpu.memref_slice %arg13[%dma_start3A_152] : memref<102400xf32, #tpu.memory_space<vmem_shared>> -> memref<102400xf32, #tpu.memory_space<vmem_shared>>
        tpu.enqueue_indirect_dma source(%arg21 : memref<10000xf32, #tpu.memory_space<vmem>>) target(%dma_start3A_153 : memref<102400xf32, #tpu.memory_space<vmem_shared>>) offsets(%arg19 : memref<10000xi32, #tpu.memory_space<vmem>>) semaphore(%run_scoped3A : memref<!tpu.dma_semaphore, #tpu.memory_space<semaphore_mem>>) {add = true}
        %dma_wait3A_154 = arith.constant 0 : i32
        %dma_wait3A_155 = tpu.memref_slice %arg13[%dma_wait3A_154] : memref<102400xf32, #tpu.memory_space<vmem_shared>> -> memref<102400xf32, #tpu.memory_space<vmem_shared>>
        tpu.wait_indirect_dma semaphore(%run_scoped3A : memref<!tpu.dma_semaphore, #tpu.memory_space<semaphore_mem>>) src(%arg21 : memref<10000xf32, #tpu.memory_space<vmem>>) dst(%dma_wait3A_155 : memref<102400xf32, #tpu.memory_space<vmem_shared>>)
        tpu.yield
      }) : () -> ()
      "tpu.region"() ({
        %run_scoped3A = tpu.sem_alloc : memref<!tpu.dma_semaphore, #tpu.memory_space<semaphore_mem>>
        %dma_start3A_152 = arith.constant 0 : i32
        %dma_start3A_153 = tpu.memref_slice %arg14[%dma_start3A_152] : memref<102400xf32, #tpu.memory_space<vmem_shared>> -> memref<102400xf32, #tpu.memory_space<vmem_shared>>
        tpu.enqueue_indirect_dma source(%arg23 : memref<10000xf32, #tpu.memory_space<vmem>>) target(%dma_start3A_153 : memref<102400xf32, #tpu.memory_space<vmem_shared>>) offsets(%arg19 : memref<10000xi32, #tpu.memory_space<vmem>>) semaphore(%run_scoped3A : memref<!tpu.dma_semaphore, #tpu.memory_space<semaphore_mem>>) {add = true}
        %dma_wait3A_154 = arith.constant 0 : i32
        %dma_wait3A_155 = tpu.memref_slice %arg14[%dma_wait3A_154] : memref<102400xf32, #tpu.memory_space<vmem_shared>> -> memref<102400xf32, #tpu.memory_space<vmem_shared>>
        tpu.wait_indirect_dma semaphore(%run_scoped3A : memref<!tpu.dma_semaphore, #tpu.memory_space<semaphore_mem>>) src(%arg23 : memref<10000xf32, #tpu.memory_space<vmem>>) dst(%dma_wait3A_155 : memref<102400xf32, #tpu.memory_space<vmem_shared>>)
        tpu.yield
      }) : () -> ()
      %dma_wait3A_52 = tpu.memref_slice %arg3[%add3A_47] : memref<1600000xi32, #tpu.memory_space<hbm>> -> memref<10000xi32, #tpu.memory_space<hbm>>
      %dma_wait3A_53 = tpu.memref_slice %arg3[%add3A_47] : memref<1600000xi32, #tpu.memory_space<hbm>> -> memref<10000xi32, #tpu.memory_space<hbm>>
      tpu.wait_dma2 semaphore(%arg33 : memref<!tpu.dma_semaphore, #tpu.memory_space<semaphore_mem>>) src(%dma_wait3A_53 : memref<10000xi32, #tpu.memory_space<hbm>>) dst(%arg20 : memref<10000xi32, #tpu.memory_space<vmem>>)
      %dma_wait3A_54 = tpu.memref_slice %arg2[%add3A_47] : memref<1605632xf32, #tpu.memory_space<hbm>> -> memref<10000xf32, #tpu.memory_space<hbm>>
      %dma_wait3A_55 = tpu.memref_slice %arg2[%add3A_47] : memref<1605632xf32, #tpu.memory_space<hbm>> -> memref<10000xf32, #tpu.memory_space<hbm>>
      tpu.wait_dma2 semaphore(%arg35 : memref<!tpu.dma_semaphore, #tpu.memory_space<semaphore_mem>>) src(%dma_wait3A_55 : memref<10000xf32, #tpu.memory_space<hbm>>) dst(%arg22 : memref<10000xf32, #tpu.memory_space<vmem>>)
      %mul3A_56 = arith.constant 100000 : i32
      %mul3A_57 = arith.muli %arg1, %mul3A_56 : i32
      %add3A_58 = arith.constant 20000 : i32
      %add3A_59 = arith.addi %mul3A_57, %add3A_58 : i32
      %dma_start3A_60 = tpu.memref_slice %arg3[%add3A_59] : memref<1600000xi32, #tpu.memory_space<hbm>> -> memref<10000xi32, #tpu.memory_space<hbm>>
      %dma_start3A_61 = tpu.memref_slice %arg3[%add3A_59] : memref<1600000xi32, #tpu.memory_space<hbm>> -> memref<10000xi32, #tpu.memory_space<hbm>>
      tpu.enqueue_dma source(%dma_start3A_61 : memref<10000xi32, #tpu.memory_space<hbm>>) target(%arg19 : memref<10000xi32, #tpu.memory_space<vmem>>) target_semaphore(%arg32 : memref<!tpu.dma_semaphore, #tpu.memory_space<semaphore_mem>>)
      %dma_start3A_62 = tpu.memref_slice %arg2[%add3A_59] : memref<1605632xf32, #tpu.memory_space<hbm>> -> memref<10000xf32, #tpu.memory_space<hbm>>
      %dma_start3A_63 = tpu.memref_slice %arg2[%add3A_59] : memref<1605632xf32, #tpu.memory_space<hbm>> -> memref<10000xf32, #tpu.memory_space<hbm>>
      tpu.enqueue_dma source(%dma_start3A_63 : memref<10000xf32, #tpu.memory_space<hbm>>) target(%arg21 : memref<10000xf32, #tpu.memory_space<vmem>>) target_semaphore(%arg34 : memref<!tpu.dma_semaphore, #tpu.memory_space<semaphore_mem>>)
      "tpu.region"() ({
        %run_scoped3A = tpu.sem_alloc : memref<!tpu.dma_semaphore, #tpu.memory_space<semaphore_mem>>
        %dma_start3A_152 = arith.constant 0 : i32
        %dma_start3A_153 = tpu.memref_slice %arg13[%dma_start3A_152] : memref<102400xf32, #tpu.memory_space<vmem_shared>> -> memref<102400xf32, #tpu.memory_space<vmem_shared>>
        tpu.enqueue_indirect_dma source(%arg22 : memref<10000xf32, #tpu.memory_space<vmem>>) target(%dma_start3A_153 : memref<102400xf32, #tpu.memory_space<vmem_shared>>) offsets(%arg20 : memref<10000xi32, #tpu.memory_space<vmem>>) semaphore(%run_scoped3A : memref<!tpu.dma_semaphore, #tpu.memory_space<semaphore_mem>>) {add = true}
        %dma_wait3A_154 = arith.constant 0 : i32
        %dma_wait3A_155 = tpu.memref_slice %arg13[%dma_wait3A_154] : memref<102400xf32, #tpu.memory_space<vmem_shared>> -> memref<102400xf32, #tpu.memory_space<vmem_shared>>
        tpu.wait_indirect_dma semaphore(%run_scoped3A : memref<!tpu.dma_semaphore, #tpu.memory_space<semaphore_mem>>) src(%arg22 : memref<10000xf32, #tpu.memory_space<vmem>>) dst(%dma_wait3A_155 : memref<102400xf32, #tpu.memory_space<vmem_shared>>)
        tpu.yield
      }) : () -> ()
      "tpu.region"() ({
        %run_scoped3A = tpu.sem_alloc : memref<!tpu.dma_semaphore, #tpu.memory_space<semaphore_mem>>
        %dma_start3A_152 = arith.constant 0 : i32
        %dma_start3A_153 = tpu.memref_slice %arg14[%dma_start3A_152] : memref<102400xf32, #tpu.memory_space<vmem_shared>> -> memref<102400xf32, #tpu.memory_space<vmem_shared>>
        tpu.enqueue_indirect_dma source(%arg23 : memref<10000xf32, #tpu.memory_space<vmem>>) target(%dma_start3A_153 : memref<102400xf32, #tpu.memory_space<vmem_shared>>) offsets(%arg20 : memref<10000xi32, #tpu.memory_space<vmem>>) semaphore(%run_scoped3A : memref<!tpu.dma_semaphore, #tpu.memory_space<semaphore_mem>>) {add = true}
        %dma_wait3A_154 = arith.constant 0 : i32
        %dma_wait3A_155 = tpu.memref_slice %arg14[%dma_wait3A_154] : memref<102400xf32, #tpu.memory_space<vmem_shared>> -> memref<102400xf32, #tpu.memory_space<vmem_shared>>
        tpu.wait_indirect_dma semaphore(%run_scoped3A : memref<!tpu.dma_semaphore, #tpu.memory_space<semaphore_mem>>) src(%arg23 : memref<10000xf32, #tpu.memory_space<vmem>>) dst(%dma_wait3A_155 : memref<102400xf32, #tpu.memory_space<vmem_shared>>)
        tpu.yield
      }) : () -> ()
      %dma_wait3A_64 = tpu.memref_slice %arg3[%add3A_59] : memref<1600000xi32, #tpu.memory_space<hbm>> -> memref<10000xi32, #tpu.memory_space<hbm>>
      %dma_wait3A_65 = tpu.memref_slice %arg3[%add3A_59] : memref<1600000xi32, #tpu.memory_space<hbm>> -> memref<10000xi32, #tpu.memory_space<hbm>>
      tpu.wait_dma2 semaphore(%arg32 : memref<!tpu.dma_semaphore, #tpu.memory_space<semaphore_mem>>) src(%dma_wait3A_65 : memref<10000xi32, #tpu.memory_space<hbm>>) dst(%arg19 : memref<10000xi32, #tpu.memory_space<vmem>>)
      %dma_wait3A_66 = tpu.memref_slice %arg2[%add3A_59] : memref<1605632xf32, #tpu.memory_space<hbm>> -> memref<10000xf32, #tpu.memory_space<hbm>>
      %dma_wait3A_67 = tpu.memref_slice %arg2[%add3A_59] : memref<1605632xf32, #tpu.memory_space<hbm>> -> memref<10000xf32, #tpu.memory_space<hbm>>
      tpu.wait_dma2 semaphore(%arg34 : memref<!tpu.dma_semaphore, #tpu.memory_space<semaphore_mem>>) src(%dma_wait3A_67 : memref<10000xf32, #tpu.memory_space<hbm>>) dst(%arg21 : memref<10000xf32, #tpu.memory_space<vmem>>)
      %mul3A_68 = arith.constant 100000 : i32
      %mul3A_69 = arith.muli %arg1, %mul3A_68 : i32
      %add3A_70 = arith.constant 30000 : i32
      %add3A_71 = arith.addi %mul3A_69, %add3A_70 : i32
      %dma_start3A_72 = tpu.memref_slice %arg3[%add3A_71] : memref<1600000xi32, #tpu.memory_space<hbm>> -> memref<10000xi32, #tpu.memory_space<hbm>>
      %dma_start3A_73 = tpu.memref_slice %arg3[%add3A_71] : memref<1600000xi32, #tpu.memory_space<hbm>> -> memref<10000xi32, #tpu.memory_space<hbm>>
      tpu.enqueue_dma source(%dma_start3A_73 : memref<10000xi32, #tpu.memory_space<hbm>>) target(%arg20 : memref<10000xi32, #tpu.memory_space<vmem>>) target_semaphore(%arg33 : memref<!tpu.dma_semaphore, #tpu.memory_space<semaphore_mem>>)
      %dma_start3A_74 = tpu.memref_slice %arg2[%add3A_71] : memref<1605632xf32, #tpu.memory_space<hbm>> -> memref<10000xf32, #tpu.memory_space<hbm>>
      %dma_start3A_75 = tpu.memref_slice %arg2[%add3A_71] : memref<1605632xf32, #tpu.memory_space<hbm>> -> memref<10000xf32, #tpu.memory_space<hbm>>
      tpu.enqueue_dma source(%dma_start3A_75 : memref<10000xf32, #tpu.memory_space<hbm>>) target(%arg22 : memref<10000xf32, #tpu.memory_space<vmem>>) target_semaphore(%arg35 : memref<!tpu.dma_semaphore, #tpu.memory_space<semaphore_mem>>)
      "tpu.region"() ({
        %run_scoped3A = tpu.sem_alloc : memref<!tpu.dma_semaphore, #tpu.memory_space<semaphore_mem>>
        %dma_start3A_152 = arith.constant 0 : i32
        %dma_start3A_153 = tpu.memref_slice %arg13[%dma_start3A_152] : memref<102400xf32, #tpu.memory_space<vmem_shared>> -> memref<102400xf32, #tpu.memory_space<vmem_shared>>
        tpu.enqueue_indirect_dma source(%arg21 : memref<10000xf32, #tpu.memory_space<vmem>>) target(%dma_start3A_153 : memref<102400xf32, #tpu.memory_space<vmem_shared>>) offsets(%arg19 : memref<10000xi32, #tpu.memory_space<vmem>>) semaphore(%run_scoped3A : memref<!tpu.dma_semaphore, #tpu.memory_space<semaphore_mem>>) {add = true}
        %dma_wait3A_154 = arith.constant 0 : i32
        %dma_wait3A_155 = tpu.memref_slice %arg13[%dma_wait3A_154] : memref<102400xf32, #tpu.memory_space<vmem_shared>> -> memref<102400xf32, #tpu.memory_space<vmem_shared>>
        tpu.wait_indirect_dma semaphore(%run_scoped3A : memref<!tpu.dma_semaphore, #tpu.memory_space<semaphore_mem>>) src(%arg21 : memref<10000xf32, #tpu.memory_space<vmem>>) dst(%dma_wait3A_155 : memref<102400xf32, #tpu.memory_space<vmem_shared>>)
        tpu.yield
      }) : () -> ()
      "tpu.region"() ({
        %run_scoped3A = tpu.sem_alloc : memref<!tpu.dma_semaphore, #tpu.memory_space<semaphore_mem>>
        %dma_start3A_152 = arith.constant 0 : i32
        %dma_start3A_153 = tpu.memref_slice %arg14[%dma_start3A_152] : memref<102400xf32, #tpu.memory_space<vmem_shared>> -> memref<102400xf32, #tpu.memory_space<vmem_shared>>
        tpu.enqueue_indirect_dma source(%arg23 : memref<10000xf32, #tpu.memory_space<vmem>>) target(%dma_start3A_153 : memref<102400xf32, #tpu.memory_space<vmem_shared>>) offsets(%arg19 : memref<10000xi32, #tpu.memory_space<vmem>>) semaphore(%run_scoped3A : memref<!tpu.dma_semaphore, #tpu.memory_space<semaphore_mem>>) {add = true}
        %dma_wait3A_154 = arith.constant 0 : i32
        %dma_wait3A_155 = tpu.memref_slice %arg14[%dma_wait3A_154] : memref<102400xf32, #tpu.memory_space<vmem_shared>> -> memref<102400xf32, #tpu.memory_space<vmem_shared>>
        tpu.wait_indirect_dma semaphore(%run_scoped3A : memref<!tpu.dma_semaphore, #tpu.memory_space<semaphore_mem>>) src(%arg23 : memref<10000xf32, #tpu.memory_space<vmem>>) dst(%dma_wait3A_155 : memref<102400xf32, #tpu.memory_space<vmem_shared>>)
        tpu.yield
      }) : () -> ()
      %dma_wait3A_76 = tpu.memref_slice %arg3[%add3A_71] : memref<1600000xi32, #tpu.memory_space<hbm>> -> memref<10000xi32, #tpu.memory_space<hbm>>
      %dma_wait3A_77 = tpu.memref_slice %arg3[%add3A_71] : memref<1600000xi32, #tpu.memory_space<hbm>> -> memref<10000xi32, #tpu.memory_space<hbm>>
      tpu.wait_dma2 semaphore(%arg33 : memref<!tpu.dma_semaphore, #tpu.memory_space<semaphore_mem>>) src(%dma_wait3A_77 : memref<10000xi32, #tpu.memory_space<hbm>>) dst(%arg20 : memref<10000xi32, #tpu.memory_space<vmem>>)
      %dma_wait3A_78 = tpu.memref_slice %arg2[%add3A_71] : memref<1605632xf32, #tpu.memory_space<hbm>> -> memref<10000xf32, #tpu.memory_space<hbm>>
      %dma_wait3A_79 = tpu.memref_slice %arg2[%add3A_71] : memref<1605632xf32, #tpu.memory_space<hbm>> -> memref<10000xf32, #tpu.memory_space<hbm>>
      tpu.wait_dma2 semaphore(%arg35 : memref<!tpu.dma_semaphore, #tpu.memory_space<semaphore_mem>>) src(%dma_wait3A_79 : memref<10000xf32, #tpu.memory_space<hbm>>) dst(%arg22 : memref<10000xf32, #tpu.memory_space<vmem>>)
      %mul3A_80 = arith.constant 100000 : i32
      %mul3A_81 = arith.muli %arg1, %mul3A_80 : i32
      %add3A_82 = arith.constant 40000 : i32
      %add3A_83 = arith.addi %mul3A_81, %add3A_82 : i32
      %dma_start3A_84 = tpu.memref_slice %arg3[%add3A_83] : memref<1600000xi32, #tpu.memory_space<hbm>> -> memref<10000xi32, #tpu.memory_space<hbm>>
      %dma_start3A_85 = tpu.memref_slice %arg3[%add3A_83] : memref<1600000xi32, #tpu.memory_space<hbm>> -> memref<10000xi32, #tpu.memory_space<hbm>>
      tpu.enqueue_dma source(%dma_start3A_85 : memref<10000xi32, #tpu.memory_space<hbm>>) target(%arg19 : memref<10000xi32, #tpu.memory_space<vmem>>) target_semaphore(%arg32 : memref<!tpu.dma_semaphore, #tpu.memory_space<semaphore_mem>>)
      %dma_start3A_86 = tpu.memref_slice %arg2[%add3A_83] : memref<1605632xf32, #tpu.memory_space<hbm>> -> memref<10000xf32, #tpu.memory_space<hbm>>
      %dma_start3A_87 = tpu.memref_slice %arg2[%add3A_83] : memref<1605632xf32, #tpu.memory_space<hbm>> -> memref<10000xf32, #tpu.memory_space<hbm>>
      tpu.enqueue_dma source(%dma_start3A_87 : memref<10000xf32, #tpu.memory_space<hbm>>) target(%arg21 : memref<10000xf32, #tpu.memory_space<vmem>>) target_semaphore(%arg34 : memref<!tpu.dma_semaphore, #tpu.memory_space<semaphore_mem>>)
      "tpu.region"() ({
        %run_scoped3A = tpu.sem_alloc : memref<!tpu.dma_semaphore, #tpu.memory_space<semaphore_mem>>
        %dma_start3A_152 = arith.constant 0 : i32
        %dma_start3A_153 = tpu.memref_slice %arg13[%dma_start3A_152] : memref<102400xf32, #tpu.memory_space<vmem_shared>> -> memref<102400xf32, #tpu.memory_space<vmem_shared>>
        tpu.enqueue_indirect_dma source(%arg22 : memref<10000xf32, #tpu.memory_space<vmem>>) target(%dma_start3A_153 : memref<102400xf32, #tpu.memory_space<vmem_shared>>) offsets(%arg20 : memref<10000xi32, #tpu.memory_space<vmem>>) semaphore(%run_scoped3A : memref<!tpu.dma_semaphore, #tpu.memory_space<semaphore_mem>>) {add = true}
        %dma_wait3A_154 = arith.constant 0 : i32
        %dma_wait3A_155 = tpu.memref_slice %arg13[%dma_wait3A_154] : memref<102400xf32, #tpu.memory_space<vmem_shared>> -> memref<102400xf32, #tpu.memory_space<vmem_shared>>
        tpu.wait_indirect_dma semaphore(%run_scoped3A : memref<!tpu.dma_semaphore, #tpu.memory_space<semaphore_mem>>) src(%arg22 : memref<10000xf32, #tpu.memory_space<vmem>>) dst(%dma_wait3A_155 : memref<102400xf32, #tpu.memory_space<vmem_shared>>)
        tpu.yield
      }) : () -> ()
      "tpu.region"() ({
        %run_scoped3A = tpu.sem_alloc : memref<!tpu.dma_semaphore, #tpu.memory_space<semaphore_mem>>
        %dma_start3A_152 = arith.constant 0 : i32
        %dma_start3A_153 = tpu.memref_slice %arg14[%dma_start3A_152] : memref<102400xf32, #tpu.memory_space<vmem_shared>> -> memref<102400xf32, #tpu.memory_space<vmem_shared>>
        tpu.enqueue_indirect_dma source(%arg23 : memref<10000xf32, #tpu.memory_space<vmem>>) target(%dma_start3A_153 : memref<102400xf32, #tpu.memory_space<vmem_shared>>) offsets(%arg20 : memref<10000xi32, #tpu.memory_space<vmem>>) semaphore(%run_scoped3A : memref<!tpu.dma_semaphore, #tpu.memory_space<semaphore_mem>>) {add = true}
        %dma_wait3A_154 = arith.constant 0 : i32
        %dma_wait3A_155 = tpu.memref_slice %arg14[%dma_wait3A_154] : memref<102400xf32, #tpu.memory_space<vmem_shared>> -> memref<102400xf32, #tpu.memory_space<vmem_shared>>
        tpu.wait_indirect_dma semaphore(%run_scoped3A : memref<!tpu.dma_semaphore, #tpu.memory_space<semaphore_mem>>) src(%arg23 : memref<10000xf32, #tpu.memory_space<vmem>>) dst(%dma_wait3A_155 : memref<102400xf32, #tpu.memory_space<vmem_shared>>)
        tpu.yield
      }) : () -> ()
      %dma_wait3A_88 = tpu.memref_slice %arg3[%add3A_83] : memref<1600000xi32, #tpu.memory_space<hbm>> -> memref<10000xi32, #tpu.memory_space<hbm>>
      %dma_wait3A_89 = tpu.memref_slice %arg3[%add3A_83] : memref<1600000xi32, #tpu.memory_space<hbm>> -> memref<10000xi32, #tpu.memory_space<hbm>>
      tpu.wait_dma2 semaphore(%arg32 : memref<!tpu.dma_semaphore, #tpu.memory_space<semaphore_mem>>) src(%dma_wait3A_89 : memref<10000xi32, #tpu.memory_space<hbm>>) dst(%arg19 : memref<10000xi32, #tpu.memory_space<vmem>>)
      %dma_wait3A_90 = tpu.memref_slice %arg2[%add3A_83] : memref<1605632xf32, #tpu.memory_space<hbm>> -> memref<10000xf32, #tpu.memory_space<hbm>>
      %dma_wait3A_91 = tpu.memref_slice %arg2[%add3A_83] : memref<1605632xf32, #tpu.memory_space<hbm>> -> memref<10000xf32, #tpu.memory_space<hbm>>
      tpu.wait_dma2 semaphore(%arg34 : memref<!tpu.dma_semaphore, #tpu.memory_space<semaphore_mem>>) src(%dma_wait3A_91 : memref<10000xf32, #tpu.memory_space<hbm>>) dst(%arg21 : memref<10000xf32, #tpu.memory_space<vmem>>)
      %mul3A_92 = arith.constant 100000 : i32
      %mul3A_93 = arith.muli %arg1, %mul3A_92 : i32
      %add3A_94 = arith.constant 50000 : i32
      %add3A_95 = arith.addi %mul3A_93, %add3A_94 : i32
      %dma_start3A_96 = tpu.memref_slice %arg3[%add3A_95] : memref<1600000xi32, #tpu.memory_space<hbm>> -> memref<10000xi32, #tpu.memory_space<hbm>>
      %dma_start3A_97 = tpu.memref_slice %arg3[%add3A_95] : memref<1600000xi32, #tpu.memory_space<hbm>> -> memref<10000xi32, #tpu.memory_space<hbm>>
      tpu.enqueue_dma source(%dma_start3A_97 : memref<10000xi32, #tpu.memory_space<hbm>>) target(%arg20 : memref<10000xi32, #tpu.memory_space<vmem>>) target_semaphore(%arg33 : memref<!tpu.dma_semaphore, #tpu.memory_space<semaphore_mem>>)
      %dma_start3A_98 = tpu.memref_slice %arg2[%add3A_95] : memref<1605632xf32, #tpu.memory_space<hbm>> -> memref<10000xf32, #tpu.memory_space<hbm>>
      %dma_start3A_99 = tpu.memref_slice %arg2[%add3A_95] : memref<1605632xf32, #tpu.memory_space<hbm>> -> memref<10000xf32, #tpu.memory_space<hbm>>
      tpu.enqueue_dma source(%dma_start3A_99 : memref<10000xf32, #tpu.memory_space<hbm>>) target(%arg22 : memref<10000xf32, #tpu.memory_space<vmem>>) target_semaphore(%arg35 : memref<!tpu.dma_semaphore, #tpu.memory_space<semaphore_mem>>)
      "tpu.region"() ({
        %run_scoped3A = tpu.sem_alloc : memref<!tpu.dma_semaphore, #tpu.memory_space<semaphore_mem>>
        %dma_start3A_152 = arith.constant 0 : i32
        %dma_start3A_153 = tpu.memref_slice %arg13[%dma_start3A_152] : memref<102400xf32, #tpu.memory_space<vmem_shared>> -> memref<102400xf32, #tpu.memory_space<vmem_shared>>
        tpu.enqueue_indirect_dma source(%arg21 : memref<10000xf32, #tpu.memory_space<vmem>>) target(%dma_start3A_153 : memref<102400xf32, #tpu.memory_space<vmem_shared>>) offsets(%arg19 : memref<10000xi32, #tpu.memory_space<vmem>>) semaphore(%run_scoped3A : memref<!tpu.dma_semaphore, #tpu.memory_space<semaphore_mem>>) {add = true}
        %dma_wait3A_154 = arith.constant 0 : i32
        %dma_wait3A_155 = tpu.memref_slice %arg13[%dma_wait3A_154] : memref<102400xf32, #tpu.memory_space<vmem_shared>> -> memref<102400xf32, #tpu.memory_space<vmem_shared>>
        tpu.wait_indirect_dma semaphore(%run_scoped3A : memref<!tpu.dma_semaphore, #tpu.memory_space<semaphore_mem>>) src(%arg21 : memref<10000xf32, #tpu.memory_space<vmem>>) dst(%dma_wait3A_155 : memref<102400xf32, #tpu.memory_space<vmem_shared>>)
        tpu.yield
      }) : () -> ()
      "tpu.region"() ({
        %run_scoped3A = tpu.sem_alloc : memref<!tpu.dma_semaphore, #tpu.memory_space<semaphore_mem>>
        %dma_start3A_152 = arith.constant 0 : i32
        %dma_start3A_153 = tpu.memref_slice %arg14[%dma_start3A_152] : memref<102400xf32, #tpu.memory_space<vmem_shared>> -> memref<102400xf32, #tpu.memory_space<vmem_shared>>
        tpu.enqueue_indirect_dma source(%arg23 : memref<10000xf32, #tpu.memory_space<vmem>>) target(%dma_start3A_153 : memref<102400xf32, #tpu.memory_space<vmem_shared>>) offsets(%arg19 : memref<10000xi32, #tpu.memory_space<vmem>>) semaphore(%run_scoped3A : memref<!tpu.dma_semaphore, #tpu.memory_space<semaphore_mem>>) {add = true}
        %dma_wait3A_154 = arith.constant 0 : i32
        %dma_wait3A_155 = tpu.memref_slice %arg14[%dma_wait3A_154] : memref<102400xf32, #tpu.memory_space<vmem_shared>> -> memref<102400xf32, #tpu.memory_space<vmem_shared>>
        tpu.wait_indirect_dma semaphore(%run_scoped3A : memref<!tpu.dma_semaphore, #tpu.memory_space<semaphore_mem>>) src(%arg23 : memref<10000xf32, #tpu.memory_space<vmem>>) dst(%dma_wait3A_155 : memref<102400xf32, #tpu.memory_space<vmem_shared>>)
        tpu.yield
      }) : () -> ()
      %dma_wait3A_100 = tpu.memref_slice %arg3[%add3A_95] : memref<1600000xi32, #tpu.memory_space<hbm>> -> memref<10000xi32, #tpu.memory_space<hbm>>
      %dma_wait3A_101 = tpu.memref_slice %arg3[%add3A_95] : memref<1600000xi32, #tpu.memory_space<hbm>> -> memref<10000xi32, #tpu.memory_space<hbm>>
      tpu.wait_dma2 semaphore(%arg33 : memref<!tpu.dma_semaphore, #tpu.memory_space<semaphore_mem>>) src(%dma_wait3A_101 : memref<10000xi32, #tpu.memory_space<hbm>>) dst(%arg20 : memref<10000xi32, #tpu.memory_space<vmem>>)
      %dma_wait3A_102 = tpu.memref_slice %arg2[%add3A_95] : memref<1605632xf32, #tpu.memory_space<hbm>> -> memref<10000xf32, #tpu.memory_space<hbm>>
      %dma_wait3A_103 = tpu.memref_slice %arg2[%add3A_95] : memref<1605632xf32, #tpu.memory_space<hbm>> -> memref<10000xf32, #tpu.memory_space<hbm>>
      tpu.wait_dma2 semaphore(%arg35 : memref<!tpu.dma_semaphore, #tpu.memory_space<semaphore_mem>>) src(%dma_wait3A_103 : memref<10000xf32, #tpu.memory_space<hbm>>) dst(%arg22 : memref<10000xf32, #tpu.memory_space<vmem>>)
      %mul3A_104 = arith.constant 100000 : i32
      %mul3A_105 = arith.muli %arg1, %mul3A_104 : i32
      %add3A_106 = arith.constant 60000 : i32
      %add3A_107 = arith.addi %mul3A_105, %add3A_106 : i32
      %dma_start3A_108 = tpu.memref_slice %arg3[%add3A_107] : memref<1600000xi32, #tpu.memory_space<hbm>> -> memref<10000xi32, #tpu.memory_space<hbm>>
      %dma_start3A_109 = tpu.memref_slice %arg3[%add3A_107] : memref<1600000xi32, #tpu.memory_space<hbm>> -> memref<10000xi32, #tpu.memory_space<hbm>>
      tpu.enqueue_dma source(%dma_start3A_109 : memref<10000xi32, #tpu.memory_space<hbm>>) target(%arg19 : memref<10000xi32, #tpu.memory_space<vmem>>) target_semaphore(%arg32 : memref<!tpu.dma_semaphore, #tpu.memory_space<semaphore_mem>>)
      %dma_start3A_110 = tpu.memref_slice %arg2[%add3A_107] : memref<1605632xf32, #tpu.memory_space<hbm>> -> memref<10000xf32, #tpu.memory_space<hbm>>
      %dma_start3A_111 = tpu.memref_slice %arg2[%add3A_107] : memref<1605632xf32, #tpu.memory_space<hbm>> -> memref<10000xf32, #tpu.memory_space<hbm>>
      tpu.enqueue_dma source(%dma_start3A_111 : memref<10000xf32, #tpu.memory_space<hbm>>) target(%arg21 : memref<10000xf32, #tpu.memory_space<vmem>>) target_semaphore(%arg34 : memref<!tpu.dma_semaphore, #tpu.memory_space<semaphore_mem>>)
      "tpu.region"() ({
        %run_scoped3A = tpu.sem_alloc : memref<!tpu.dma_semaphore, #tpu.memory_space<semaphore_mem>>
        %dma_start3A_152 = arith.constant 0 : i32
        %dma_start3A_153 = tpu.memref_slice %arg13[%dma_start3A_152] : memref<102400xf32, #tpu.memory_space<vmem_shared>> -> memref<102400xf32, #tpu.memory_space<vmem_shared>>
        tpu.enqueue_indirect_dma source(%arg22 : memref<10000xf32, #tpu.memory_space<vmem>>) target(%dma_start3A_153 : memref<102400xf32, #tpu.memory_space<vmem_shared>>) offsets(%arg20 : memref<10000xi32, #tpu.memory_space<vmem>>) semaphore(%run_scoped3A : memref<!tpu.dma_semaphore, #tpu.memory_space<semaphore_mem>>) {add = true}
        %dma_wait3A_154 = arith.constant 0 : i32
        %dma_wait3A_155 = tpu.memref_slice %arg13[%dma_wait3A_154] : memref<102400xf32, #tpu.memory_space<vmem_shared>> -> memref<102400xf32, #tpu.memory_space<vmem_shared>>
        tpu.wait_indirect_dma semaphore(%run_scoped3A : memref<!tpu.dma_semaphore, #tpu.memory_space<semaphore_mem>>) src(%arg22 : memref<10000xf32, #tpu.memory_space<vmem>>) dst(%dma_wait3A_155 : memref<102400xf32, #tpu.memory_space<vmem_shared>>)
        tpu.yield
      }) : () -> ()
      "tpu.region"() ({
        %run_scoped3A = tpu.sem_alloc : memref<!tpu.dma_semaphore, #tpu.memory_space<semaphore_mem>>
        %dma_start3A_152 = arith.constant 0 : i32
        %dma_start3A_153 = tpu.memref_slice %arg14[%dma_start3A_152] : memref<102400xf32, #tpu.memory_space<vmem_shared>> -> memref<102400xf32, #tpu.memory_space<vmem_shared>>
        tpu.enqueue_indirect_dma source(%arg23 : memref<10000xf32, #tpu.memory_space<vmem>>) target(%dma_start3A_153 : memref<102400xf32, #tpu.memory_space<vmem_shared>>) offsets(%arg20 : memref<10000xi32, #tpu.memory_space<vmem>>) semaphore(%run_scoped3A : memref<!tpu.dma_semaphore, #tpu.memory_space<semaphore_mem>>) {add = true}
        %dma_wait3A_154 = arith.constant 0 : i32
        %dma_wait3A_155 = tpu.memref_slice %arg14[%dma_wait3A_154] : memref<102400xf32, #tpu.memory_space<vmem_shared>> -> memref<102400xf32, #tpu.memory_space<vmem_shared>>
        tpu.wait_indirect_dma semaphore(%run_scoped3A : memref<!tpu.dma_semaphore, #tpu.memory_space<semaphore_mem>>) src(%arg23 : memref<10000xf32, #tpu.memory_space<vmem>>) dst(%dma_wait3A_155 : memref<102400xf32, #tpu.memory_space<vmem_shared>>)
        tpu.yield
      }) : () -> ()
      %dma_wait3A_112 = tpu.memref_slice %arg3[%add3A_107] : memref<1600000xi32, #tpu.memory_space<hbm>> -> memref<10000xi32, #tpu.memory_space<hbm>>
      %dma_wait3A_113 = tpu.memref_slice %arg3[%add3A_107] : memref<1600000xi32, #tpu.memory_space<hbm>> -> memref<10000xi32, #tpu.memory_space<hbm>>
      tpu.wait_dma2 semaphore(%arg32 : memref<!tpu.dma_semaphore, #tpu.memory_space<semaphore_mem>>) src(%dma_wait3A_113 : memref<10000xi32, #tpu.memory_space<hbm>>) dst(%arg19 : memref<10000xi32, #tpu.memory_space<vmem>>)
      %dma_wait3A_114 = tpu.memref_slice %arg2[%add3A_107] : memref<1605632xf32, #tpu.memory_space<hbm>> -> memref<10000xf32, #tpu.memory_space<hbm>>
      %dma_wait3A_115 = tpu.memref_slice %arg2[%add3A_107] : memref<1605632xf32, #tpu.memory_space<hbm>> -> memref<10000xf32, #tpu.memory_space<hbm>>
      tpu.wait_dma2 semaphore(%arg34 : memref<!tpu.dma_semaphore, #tpu.memory_space<semaphore_mem>>) src(%dma_wait3A_115 : memref<10000xf32, #tpu.memory_space<hbm>>) dst(%arg21 : memref<10000xf32, #tpu.memory_space<vmem>>)
      %mul3A_116 = arith.constant 100000 : i32
      %mul3A_117 = arith.muli %arg1, %mul3A_116 : i32
      %add3A_118 = arith.constant 70000 : i32
      %add3A_119 = arith.addi %mul3A_117, %add3A_118 : i32
      %dma_start3A_120 = tpu.memref_slice %arg3[%add3A_119] : memref<1600000xi32, #tpu.memory_space<hbm>> -> memref<10000xi32, #tpu.memory_space<hbm>>
      %dma_start3A_121 = tpu.memref_slice %arg3[%add3A_119] : memref<1600000xi32, #tpu.memory_space<hbm>> -> memref<10000xi32, #tpu.memory_space<hbm>>
      tpu.enqueue_dma source(%dma_start3A_121 : memref<10000xi32, #tpu.memory_space<hbm>>) target(%arg20 : memref<10000xi32, #tpu.memory_space<vmem>>) target_semaphore(%arg33 : memref<!tpu.dma_semaphore, #tpu.memory_space<semaphore_mem>>)
      %dma_start3A_122 = tpu.memref_slice %arg2[%add3A_119] : memref<1605632xf32, #tpu.memory_space<hbm>> -> memref<10000xf32, #tpu.memory_space<hbm>>
      %dma_start3A_123 = tpu.memref_slice %arg2[%add3A_119] : memref<1605632xf32, #tpu.memory_space<hbm>> -> memref<10000xf32, #tpu.memory_space<hbm>>
      tpu.enqueue_dma source(%dma_start3A_123 : memref<10000xf32, #tpu.memory_space<hbm>>) target(%arg22 : memref<10000xf32, #tpu.memory_space<vmem>>) target_semaphore(%arg35 : memref<!tpu.dma_semaphore, #tpu.memory_space<semaphore_mem>>)
      "tpu.region"() ({
        %run_scoped3A = tpu.sem_alloc : memref<!tpu.dma_semaphore, #tpu.memory_space<semaphore_mem>>
        %dma_start3A_152 = arith.constant 0 : i32
        %dma_start3A_153 = tpu.memref_slice %arg13[%dma_start3A_152] : memref<102400xf32, #tpu.memory_space<vmem_shared>> -> memref<102400xf32, #tpu.memory_space<vmem_shared>>
        tpu.enqueue_indirect_dma source(%arg21 : memref<10000xf32, #tpu.memory_space<vmem>>) target(%dma_start3A_153 : memref<102400xf32, #tpu.memory_space<vmem_shared>>) offsets(%arg19 : memref<10000xi32, #tpu.memory_space<vmem>>) semaphore(%run_scoped3A : memref<!tpu.dma_semaphore, #tpu.memory_space<semaphore_mem>>) {add = true}
        %dma_wait3A_154 = arith.constant 0 : i32
        %dma_wait3A_155 = tpu.memref_slice %arg13[%dma_wait3A_154] : memref<102400xf32, #tpu.memory_space<vmem_shared>> -> memref<102400xf32, #tpu.memory_space<vmem_shared>>
        tpu.wait_indirect_dma semaphore(%run_scoped3A : memref<!tpu.dma_semaphore, #tpu.memory_space<semaphore_mem>>) src(%arg21 : memref<10000xf32, #tpu.memory_space<vmem>>) dst(%dma_wait3A_155 : memref<102400xf32, #tpu.memory_space<vmem_shared>>)
        tpu.yield
      }) : () -> ()
      "tpu.region"() ({
        %run_scoped3A = tpu.sem_alloc : memref<!tpu.dma_semaphore, #tpu.memory_space<semaphore_mem>>
        %dma_start3A_152 = arith.constant 0 : i32
        %dma_start3A_153 = tpu.memref_slice %arg14[%dma_start3A_152] : memref<102400xf32, #tpu.memory_space<vmem_shared>> -> memref<102400xf32, #tpu.memory_space<vmem_shared>>
        tpu.enqueue_indirect_dma source(%arg23 : memref<10000xf32, #tpu.memory_space<vmem>>) target(%dma_start3A_153 : memref<102400xf32, #tpu.memory_space<vmem_shared>>) offsets(%arg19 : memref<10000xi32, #tpu.memory_space<vmem>>) semaphore(%run_scoped3A : memref<!tpu.dma_semaphore, #tpu.memory_space<semaphore_mem>>) {add = true}
        %dma_wait3A_154 = arith.constant 0 : i32
        %dma_wait3A_155 = tpu.memref_slice %arg14[%dma_wait3A_154] : memref<102400xf32, #tpu.memory_space<vmem_shared>> -> memref<102400xf32, #tpu.memory_space<vmem_shared>>
        tpu.wait_indirect_dma semaphore(%run_scoped3A : memref<!tpu.dma_semaphore, #tpu.memory_space<semaphore_mem>>) src(%arg23 : memref<10000xf32, #tpu.memory_space<vmem>>) dst(%dma_wait3A_155 : memref<102400xf32, #tpu.memory_space<vmem_shared>>)
        tpu.yield
      }) : () -> ()
      %dma_wait3A_124 = tpu.memref_slice %arg3[%add3A_119] : memref<1600000xi32, #tpu.memory_space<hbm>> -> memref<10000xi32, #tpu.memory_space<hbm>>
      %dma_wait3A_125 = tpu.memref_slice %arg3[%add3A_119] : memref<1600000xi32, #tpu.memory_space<hbm>> -> memref<10000xi32, #tpu.memory_space<hbm>>
      tpu.wait_dma2 semaphore(%arg33 : memref<!tpu.dma_semaphore, #tpu.memory_space<semaphore_mem>>) src(%dma_wait3A_125 : memref<10000xi32, #tpu.memory_space<hbm>>) dst(%arg20 : memref<10000xi32, #tpu.memory_space<vmem>>)
      %dma_wait3A_126 = tpu.memref_slice %arg2[%add3A_119] : memref<1605632xf32, #tpu.memory_space<hbm>> -> memref<10000xf32, #tpu.memory_space<hbm>>
      %dma_wait3A_127 = tpu.memref_slice %arg2[%add3A_119] : memref<1605632xf32, #tpu.memory_space<hbm>> -> memref<10000xf32, #tpu.memory_space<hbm>>
      tpu.wait_dma2 semaphore(%arg35 : memref<!tpu.dma_semaphore, #tpu.memory_space<semaphore_mem>>) src(%dma_wait3A_127 : memref<10000xf32, #tpu.memory_space<hbm>>) dst(%arg22 : memref<10000xf32, #tpu.memory_space<vmem>>)
      %mul3A_128 = arith.constant 100000 : i32
      %mul3A_129 = arith.muli %arg1, %mul3A_128 : i32
      %add3A_130 = arith.constant 80000 : i32
      %add3A_131 = arith.addi %mul3A_129, %add3A_130 : i32
      %dma_start3A_132 = tpu.memref_slice %arg3[%add3A_131] : memref<1600000xi32, #tpu.memory_space<hbm>> -> memref<10000xi32, #tpu.memory_space<hbm>>
      %dma_start3A_133 = tpu.memref_slice %arg3[%add3A_131] : memref<1600000xi32, #tpu.memory_space<hbm>> -> memref<10000xi32, #tpu.memory_space<hbm>>
      tpu.enqueue_dma source(%dma_start3A_133 : memref<10000xi32, #tpu.memory_space<hbm>>) target(%arg19 : memref<10000xi32, #tpu.memory_space<vmem>>) target_semaphore(%arg32 : memref<!tpu.dma_semaphore, #tpu.memory_space<semaphore_mem>>)
      %dma_start3A_134 = tpu.memref_slice %arg2[%add3A_131] : memref<1605632xf32, #tpu.memory_space<hbm>> -> memref<10000xf32, #tpu.memory_space<hbm>>
      %dma_start3A_135 = tpu.memref_slice %arg2[%add3A_131] : memref<1605632xf32, #tpu.memory_space<hbm>> -> memref<10000xf32, #tpu.memory_space<hbm>>
      tpu.enqueue_dma source(%dma_start3A_135 : memref<10000xf32, #tpu.memory_space<hbm>>) target(%arg21 : memref<10000xf32, #tpu.memory_space<vmem>>) target_semaphore(%arg34 : memref<!tpu.dma_semaphore, #tpu.memory_space<semaphore_mem>>)
      "tpu.region"() ({
        %run_scoped3A = tpu.sem_alloc : memref<!tpu.dma_semaphore, #tpu.memory_space<semaphore_mem>>
        %dma_start3A_152 = arith.constant 0 : i32
        %dma_start3A_153 = tpu.memref_slice %arg13[%dma_start3A_152] : memref<102400xf32, #tpu.memory_space<vmem_shared>> -> memref<102400xf32, #tpu.memory_space<vmem_shared>>
        tpu.enqueue_indirect_dma source(%arg22 : memref<10000xf32, #tpu.memory_space<vmem>>) target(%dma_start3A_153 : memref<102400xf32, #tpu.memory_space<vmem_shared>>) offsets(%arg20 : memref<10000xi32, #tpu.memory_space<vmem>>) semaphore(%run_scoped3A : memref<!tpu.dma_semaphore, #tpu.memory_space<semaphore_mem>>) {add = true}
        %dma_wait3A_154 = arith.constant 0 : i32
        %dma_wait3A_155 = tpu.memref_slice %arg13[%dma_wait3A_154] : memref<102400xf32, #tpu.memory_space<vmem_shared>> -> memref<102400xf32, #tpu.memory_space<vmem_shared>>
        tpu.wait_indirect_dma semaphore(%run_scoped3A : memref<!tpu.dma_semaphore, #tpu.memory_space<semaphore_mem>>) src(%arg22 : memref<10000xf32, #tpu.memory_space<vmem>>) dst(%dma_wait3A_155 : memref<102400xf32, #tpu.memory_space<vmem_shared>>)
        tpu.yield
      }) : () -> ()
      "tpu.region"() ({
        %run_scoped3A = tpu.sem_alloc : memref<!tpu.dma_semaphore, #tpu.memory_space<semaphore_mem>>
        %dma_start3A_152 = arith.constant 0 : i32
        %dma_start3A_153 = tpu.memref_slice %arg14[%dma_start3A_152] : memref<102400xf32, #tpu.memory_space<vmem_shared>> -> memref<102400xf32, #tpu.memory_space<vmem_shared>>
        tpu.enqueue_indirect_dma source(%arg23 : memref<10000xf32, #tpu.memory_space<vmem>>) target(%dma_start3A_153 : memref<102400xf32, #tpu.memory_space<vmem_shared>>) offsets(%arg20 : memref<10000xi32, #tpu.memory_space<vmem>>) semaphore(%run_scoped3A : memref<!tpu.dma_semaphore, #tpu.memory_space<semaphore_mem>>) {add = true}
        %dma_wait3A_154 = arith.constant 0 : i32
        %dma_wait3A_155 = tpu.memref_slice %arg14[%dma_wait3A_154] : memref<102400xf32, #tpu.memory_space<vmem_shared>> -> memref<102400xf32, #tpu.memory_space<vmem_shared>>
        tpu.wait_indirect_dma semaphore(%run_scoped3A : memref<!tpu.dma_semaphore, #tpu.memory_space<semaphore_mem>>) src(%arg23 : memref<10000xf32, #tpu.memory_space<vmem>>) dst(%dma_wait3A_155 : memref<102400xf32, #tpu.memory_space<vmem_shared>>)
        tpu.yield
      }) : () -> ()
      %dma_wait3A_136 = tpu.memref_slice %arg3[%add3A_131] : memref<1600000xi32, #tpu.memory_space<hbm>> -> memref<10000xi32, #tpu.memory_space<hbm>>
      %dma_wait3A_137 = tpu.memref_slice %arg3[%add3A_131] : memref<1600000xi32, #tpu.memory_space<hbm>> -> memref<10000xi32, #tpu.memory_space<hbm>>
      tpu.wait_dma2 semaphore(%arg32 : memref<!tpu.dma_semaphore, #tpu.memory_space<semaphore_mem>>) src(%dma_wait3A_137 : memref<10000xi32, #tpu.memory_space<hbm>>) dst(%arg19 : memref<10000xi32, #tpu.memory_space<vmem>>)
      %dma_wait3A_138 = tpu.memref_slice %arg2[%add3A_131] : memref<1605632xf32, #tpu.memory_space<hbm>> -> memref<10000xf32, #tpu.memory_space<hbm>>
      %dma_wait3A_139 = tpu.memref_slice %arg2[%add3A_131] : memref<1605632xf32, #tpu.memory_space<hbm>> -> memref<10000xf32, #tpu.memory_space<hbm>>
      tpu.wait_dma2 semaphore(%arg34 : memref<!tpu.dma_semaphore, #tpu.memory_space<semaphore_mem>>) src(%dma_wait3A_139 : memref<10000xf32, #tpu.memory_space<hbm>>) dst(%arg21 : memref<10000xf32, #tpu.memory_space<vmem>>)
      %mul3A_140 = arith.constant 100000 : i32
      %mul3A_141 = arith.muli %arg1, %mul3A_140 : i32
      %add3A_142 = arith.constant 90000 : i32
      %add3A_143 = arith.addi %mul3A_141, %add3A_142 : i32
      %dma_start3A_144 = tpu.memref_slice %arg3[%add3A_143] : memref<1600000xi32, #tpu.memory_space<hbm>> -> memref<10000xi32, #tpu.memory_space<hbm>>
      %dma_start3A_145 = tpu.memref_slice %arg3[%add3A_143] : memref<1600000xi32, #tpu.memory_space<hbm>> -> memref<10000xi32, #tpu.memory_space<hbm>>
      tpu.enqueue_dma source(%dma_start3A_145 : memref<10000xi32, #tpu.memory_space<hbm>>) target(%arg20 : memref<10000xi32, #tpu.memory_space<vmem>>) target_semaphore(%arg33 : memref<!tpu.dma_semaphore, #tpu.memory_space<semaphore_mem>>)
      %dma_start3A_146 = tpu.memref_slice %arg2[%add3A_143] : memref<1605632xf32, #tpu.memory_space<hbm>> -> memref<10000xf32, #tpu.memory_space<hbm>>
      %dma_start3A_147 = tpu.memref_slice %arg2[%add3A_143] : memref<1605632xf32, #tpu.memory_space<hbm>> -> memref<10000xf32, #tpu.memory_space<hbm>>
      tpu.enqueue_dma source(%dma_start3A_147 : memref<10000xf32, #tpu.memory_space<hbm>>) target(%arg22 : memref<10000xf32, #tpu.memory_space<vmem>>) target_semaphore(%arg35 : memref<!tpu.dma_semaphore, #tpu.memory_space<semaphore_mem>>)
      "tpu.region"() ({
        %run_scoped3A = tpu.sem_alloc : memref<!tpu.dma_semaphore, #tpu.memory_space<semaphore_mem>>
        %dma_start3A_152 = arith.constant 0 : i32
        %dma_start3A_153 = tpu.memref_slice %arg13[%dma_start3A_152] : memref<102400xf32, #tpu.memory_space<vmem_shared>> -> memref<102400xf32, #tpu.memory_space<vmem_shared>>
        tpu.enqueue_indirect_dma source(%arg21 : memref<10000xf32, #tpu.memory_space<vmem>>) target(%dma_start3A_153 : memref<102400xf32, #tpu.memory_space<vmem_shared>>) offsets(%arg19 : memref<10000xi32, #tpu.memory_space<vmem>>) semaphore(%run_scoped3A : memref<!tpu.dma_semaphore, #tpu.memory_space<semaphore_mem>>) {add = true}
        %dma_wait3A_154 = arith.constant 0 : i32
        %dma_wait3A_155 = tpu.memref_slice %arg13[%dma_wait3A_154] : memref<102400xf32, #tpu.memory_space<vmem_shared>> -> memref<102400xf32, #tpu.memory_space<vmem_shared>>
        tpu.wait_indirect_dma semaphore(%run_scoped3A : memref<!tpu.dma_semaphore, #tpu.memory_space<semaphore_mem>>) src(%arg21 : memref<10000xf32, #tpu.memory_space<vmem>>) dst(%dma_wait3A_155 : memref<102400xf32, #tpu.memory_space<vmem_shared>>)
        tpu.yield
      }) : () -> ()
      "tpu.region"() ({
        %run_scoped3A = tpu.sem_alloc : memref<!tpu.dma_semaphore, #tpu.memory_space<semaphore_mem>>
        %dma_start3A_152 = arith.constant 0 : i32
        %dma_start3A_153 = tpu.memref_slice %arg14[%dma_start3A_152] : memref<102400xf32, #tpu.memory_space<vmem_shared>> -> memref<102400xf32, #tpu.memory_space<vmem_shared>>
        tpu.enqueue_indirect_dma source(%arg23 : memref<10000xf32, #tpu.memory_space<vmem>>) target(%dma_start3A_153 : memref<102400xf32, #tpu.memory_space<vmem_shared>>) offsets(%arg19 : memref<10000xi32, #tpu.memory_space<vmem>>) semaphore(%run_scoped3A : memref<!tpu.dma_semaphore, #tpu.memory_space<semaphore_mem>>) {add = true}
        %dma_wait3A_154 = arith.constant 0 : i32
        %dma_wait3A_155 = tpu.memref_slice %arg14[%dma_wait3A_154] : memref<102400xf32, #tpu.memory_space<vmem_shared>> -> memref<102400xf32, #tpu.memory_space<vmem_shared>>
        tpu.wait_indirect_dma semaphore(%run_scoped3A : memref<!tpu.dma_semaphore, #tpu.memory_space<semaphore_mem>>) src(%arg23 : memref<10000xf32, #tpu.memory_space<vmem>>) dst(%dma_wait3A_155 : memref<102400xf32, #tpu.memory_space<vmem_shared>>)
        tpu.yield
      }) : () -> ()
      %dma_wait3A_148 = tpu.memref_slice %arg3[%add3A_143] : memref<1600000xi32, #tpu.memory_space<hbm>> -> memref<10000xi32, #tpu.memory_space<hbm>>
      %dma_wait3A_149 = tpu.memref_slice %arg3[%add3A_143] : memref<1600000xi32, #tpu.memory_space<hbm>> -> memref<10000xi32, #tpu.memory_space<hbm>>
      tpu.wait_dma2 semaphore(%arg33 : memref<!tpu.dma_semaphore, #tpu.memory_space<semaphore_mem>>) src(%dma_wait3A_149 : memref<10000xi32, #tpu.memory_space<hbm>>) dst(%arg20 : memref<10000xi32, #tpu.memory_space<vmem>>)
      %dma_wait3A_150 = tpu.memref_slice %arg2[%add3A_143] : memref<1605632xf32, #tpu.memory_space<hbm>> -> memref<10000xf32, #tpu.memory_space<hbm>>
      %dma_wait3A_151 = tpu.memref_slice %arg2[%add3A_143] : memref<1605632xf32, #tpu.memory_space<hbm>> -> memref<10000xf32, #tpu.memory_space<hbm>>
      tpu.wait_dma2 semaphore(%arg35 : memref<!tpu.dma_semaphore, #tpu.memory_space<semaphore_mem>>) src(%dma_wait3A_151 : memref<10000xf32, #tpu.memory_space<hbm>>) dst(%arg22 : memref<10000xf32, #tpu.memory_space<vmem>>)
      "tpu.region"() ({
        %run_scoped3A = tpu.sem_alloc : memref<!tpu.dma_semaphore, #tpu.memory_space<semaphore_mem>>
        %dma_start3A_152 = arith.constant 0 : i32
        %dma_start3A_153 = tpu.memref_slice %arg13[%dma_start3A_152] : memref<102400xf32, #tpu.memory_space<vmem_shared>> -> memref<102400xf32, #tpu.memory_space<vmem_shared>>
        tpu.enqueue_indirect_dma source(%arg22 : memref<10000xf32, #tpu.memory_space<vmem>>) target(%dma_start3A_153 : memref<102400xf32, #tpu.memory_space<vmem_shared>>) offsets(%arg20 : memref<10000xi32, #tpu.memory_space<vmem>>) semaphore(%run_scoped3A : memref<!tpu.dma_semaphore, #tpu.memory_space<semaphore_mem>>) {add = true}
        %dma_wait3A_154 = arith.constant 0 : i32
        %dma_wait3A_155 = tpu.memref_slice %arg13[%dma_wait3A_154] : memref<102400xf32, #tpu.memory_space<vmem_shared>> -> memref<102400xf32, #tpu.memory_space<vmem_shared>>
        tpu.wait_indirect_dma semaphore(%run_scoped3A : memref<!tpu.dma_semaphore, #tpu.memory_space<semaphore_mem>>) src(%arg22 : memref<10000xf32, #tpu.memory_space<vmem>>) dst(%dma_wait3A_155 : memref<102400xf32, #tpu.memory_space<vmem_shared>>)
        tpu.yield
      }) : () -> ()
      "tpu.region"() ({
        %run_scoped3A = tpu.sem_alloc : memref<!tpu.dma_semaphore, #tpu.memory_space<semaphore_mem>>
        %dma_start3A_152 = arith.constant 0 : i32
        %dma_start3A_153 = tpu.memref_slice %arg14[%dma_start3A_152] : memref<102400xf32, #tpu.memory_space<vmem_shared>> -> memref<102400xf32, #tpu.memory_space<vmem_shared>>
        tpu.enqueue_indirect_dma source(%arg23 : memref<10000xf32, #tpu.memory_space<vmem>>) target(%dma_start3A_153 : memref<102400xf32, #tpu.memory_space<vmem_shared>>) offsets(%arg20 : memref<10000xi32, #tpu.memory_space<vmem>>) semaphore(%run_scoped3A : memref<!tpu.dma_semaphore, #tpu.memory_space<semaphore_mem>>) {add = true}
        %dma_wait3A_154 = arith.constant 0 : i32
        %dma_wait3A_155 = tpu.memref_slice %arg14[%dma_wait3A_154] : memref<102400xf32, #tpu.memory_space<vmem_shared>> -> memref<102400xf32, #tpu.memory_space<vmem_shared>>
        tpu.wait_indirect_dma semaphore(%run_scoped3A : memref<!tpu.dma_semaphore, #tpu.memory_space<semaphore_mem>>) src(%arg23 : memref<10000xf32, #tpu.memory_space<vmem>>) dst(%dma_wait3A_155 : memref<102400xf32, #tpu.memory_space<vmem_shared>>)
        tpu.yield
      }) : () -> ()
    } else {
    }
    %eq3A_8 = arith.constant 1 : i32
    %eq3A_9 = arith.cmpi eq, %arg0, %eq3A_8 : i32
    %convert_element_type3A_10 = arith.extui %eq3A_9 : i1 to i32
    %cond3A_11 = arith.constant 0 : i32
    %cond3A_12 = arith.cmpi ne, %convert_element_type3A_10, %cond3A_11 : i32
    scf.if %cond3A_12 {
      %mul3A_35 = arith.constant 6400 : i32
      %mul3A_36 = arith.muli %arg1, %mul3A_35 : i32
      "tpu.region"() ({
        %run_scoped3A = tpu.sem_alloc : memref<!tpu.dma_semaphore, #tpu.memory_space<semaphore_mem>>
        %dma_start3A = tpu.memref_slice %arg7[%mul3A_36] : memref<102400xi32, #tpu.memory_space<hbm>> -> memref<6400xi32, #tpu.memory_space<hbm>>
        %dma_start3A_37 = tpu.memref_slice %arg7[%mul3A_36] : memref<102400xi32, #tpu.memory_space<hbm>> -> memref<6400xi32, #tpu.memory_space<hbm>>
        tpu.enqueue_dma source(%dma_start3A_37 : memref<6400xi32, #tpu.memory_space<hbm>>) target(%arg24 : memref<6400xi32, #tpu.memory_space<vmem>>) target_semaphore(%run_scoped3A : memref<!tpu.dma_semaphore, #tpu.memory_space<semaphore_mem>>)
        %dma_wait3A = tpu.memref_slice %arg7[%mul3A_36] : memref<102400xi32, #tpu.memory_space<hbm>> -> memref<6400xi32, #tpu.memory_space<hbm>>
        %dma_wait3A_38 = tpu.memref_slice %arg7[%mul3A_36] : memref<102400xi32, #tpu.memory_space<hbm>> -> memref<6400xi32, #tpu.memory_space<hbm>>
        tpu.wait_dma2 semaphore(%run_scoped3A : memref<!tpu.dma_semaphore, #tpu.memory_space<semaphore_mem>>) src(%dma_wait3A_38 : memref<6400xi32, #tpu.memory_space<hbm>>) dst(%arg24 : memref<6400xi32, #tpu.memory_space<vmem>>)
        tpu.yield
      }) : () -> ()
      "tpu.region"() ({
        %run_scoped3A = tpu.sem_alloc : memref<!tpu.dma_semaphore, #tpu.memory_space<semaphore_mem>>
        %dma_start3A = tpu.memref_slice %arg4[%mul3A_36] : memref<102400xf32, #tpu.memory_space<hbm>> -> memref<6400xf32, #tpu.memory_space<hbm>>
        %dma_start3A_37 = tpu.memref_slice %arg4[%mul3A_36] : memref<102400xf32, #tpu.memory_space<hbm>> -> memref<6400xf32, #tpu.memory_space<hbm>>
        tpu.enqueue_dma source(%dma_start3A_37 : memref<6400xf32, #tpu.memory_space<hbm>>) target(%arg25 : memref<6400xf32, #tpu.memory_space<vmem>>) target_semaphore(%run_scoped3A : memref<!tpu.dma_semaphore, #tpu.memory_space<semaphore_mem>>)
        %dma_wait3A = tpu.memref_slice %arg4[%mul3A_36] : memref<102400xf32, #tpu.memory_space<hbm>> -> memref<6400xf32, #tpu.memory_space<hbm>>
        %dma_wait3A_38 = tpu.memref_slice %arg4[%mul3A_36] : memref<102400xf32, #tpu.memory_space<hbm>> -> memref<6400xf32, #tpu.memory_space<hbm>>
        tpu.wait_dma2 semaphore(%run_scoped3A : memref<!tpu.dma_semaphore, #tpu.memory_space<semaphore_mem>>) src(%dma_wait3A_38 : memref<6400xf32, #tpu.memory_space<hbm>>) dst(%arg25 : memref<6400xf32, #tpu.memory_space<vmem>>)
        tpu.yield
      }) : () -> ()
      "tpu.region"() ({
        %run_scoped3A = tpu.sem_alloc : memref<!tpu.dma_semaphore, #tpu.memory_space<semaphore_mem>>
        %dma_start3A = arith.constant 0 : i32
        %dma_start3A_37 = tpu.memref_slice %arg15[%dma_start3A] : memref<2048xf32, #tpu.memory_space<vmem_shared>> -> memref<2048xf32, #tpu.memory_space<vmem_shared>>
        tpu.enqueue_indirect_dma source(%arg25 : memref<6400xf32, #tpu.memory_space<vmem>>) target(%dma_start3A_37 : memref<2048xf32, #tpu.memory_space<vmem_shared>>) offsets(%arg24 : memref<6400xi32, #tpu.memory_space<vmem>>) semaphore(%run_scoped3A : memref<!tpu.dma_semaphore, #tpu.memory_space<semaphore_mem>>) {add = true}
        %dma_wait3A = arith.constant 0 : i32
        %dma_wait3A_38 = tpu.memref_slice %arg15[%dma_wait3A] : memref<2048xf32, #tpu.memory_space<vmem_shared>> -> memref<2048xf32, #tpu.memory_space<vmem_shared>>
        tpu.wait_indirect_dma semaphore(%run_scoped3A : memref<!tpu.dma_semaphore, #tpu.memory_space<semaphore_mem>>) src(%arg25 : memref<6400xf32, #tpu.memory_space<vmem>>) dst(%dma_wait3A_38 : memref<2048xf32, #tpu.memory_space<vmem_shared>>)
        tpu.yield
      }) : () -> ()
      "tpu.region"() ({
        %run_scoped3A = tpu.sem_alloc : memref<!tpu.dma_semaphore, #tpu.memory_space<semaphore_mem>>
        %dma_start3A = tpu.memref_slice %arg5[%mul3A_36] : memref<102400xf32, #tpu.memory_space<hbm>> -> memref<6400xf32, #tpu.memory_space<hbm>>
        %dma_start3A_37 = tpu.memref_slice %arg5[%mul3A_36] : memref<102400xf32, #tpu.memory_space<hbm>> -> memref<6400xf32, #tpu.memory_space<hbm>>
        tpu.enqueue_dma source(%dma_start3A_37 : memref<6400xf32, #tpu.memory_space<hbm>>) target(%arg25 : memref<6400xf32, #tpu.memory_space<vmem>>) target_semaphore(%run_scoped3A : memref<!tpu.dma_semaphore, #tpu.memory_space<semaphore_mem>>)
        %dma_wait3A = tpu.memref_slice %arg5[%mul3A_36] : memref<102400xf32, #tpu.memory_space<hbm>> -> memref<6400xf32, #tpu.memory_space<hbm>>
        %dma_wait3A_38 = tpu.memref_slice %arg5[%mul3A_36] : memref<102400xf32, #tpu.memory_space<hbm>> -> memref<6400xf32, #tpu.memory_space<hbm>>
        tpu.wait_dma2 semaphore(%run_scoped3A : memref<!tpu.dma_semaphore, #tpu.memory_space<semaphore_mem>>) src(%dma_wait3A_38 : memref<6400xf32, #tpu.memory_space<hbm>>) dst(%arg25 : memref<6400xf32, #tpu.memory_space<vmem>>)
        tpu.yield
      }) : () -> ()
      "tpu.region"() ({
        %run_scoped3A = tpu.sem_alloc : memref<!tpu.dma_semaphore, #tpu.memory_space<semaphore_mem>>
        %dma_start3A = arith.constant 0 : i32
        %dma_start3A_37 = tpu.memref_slice %arg16[%dma_start3A] : memref<2048xf32, #tpu.memory_space<vmem_shared>> -> memref<2048xf32, #tpu.memory_space<vmem_shared>>
        tpu.enqueue_indirect_dma source(%arg25 : memref<6400xf32, #tpu.memory_space<vmem>>) target(%dma_start3A_37 : memref<2048xf32, #tpu.memory_space<vmem_shared>>) offsets(%arg24 : memref<6400xi32, #tpu.memory_space<vmem>>) semaphore(%run_scoped3A : memref<!tpu.dma_semaphore, #tpu.memory_space<semaphore_mem>>) {add = true}
        %dma_wait3A = arith.constant 0 : i32
        %dma_wait3A_38 = tpu.memref_slice %arg16[%dma_wait3A] : memref<2048xf32, #tpu.memory_space<vmem_shared>> -> memref<2048xf32, #tpu.memory_space<vmem_shared>>
        tpu.wait_indirect_dma semaphore(%run_scoped3A : memref<!tpu.dma_semaphore, #tpu.memory_space<semaphore_mem>>) src(%arg25 : memref<6400xf32, #tpu.memory_space<vmem>>) dst(%dma_wait3A_38 : memref<2048xf32, #tpu.memory_space<vmem_shared>>)
        tpu.yield
      }) : () -> ()
      "tpu.region"() ({
        %run_scoped3A = tpu.sem_alloc : memref<!tpu.dma_semaphore, #tpu.memory_space<semaphore_mem>>
        %dma_start3A = tpu.memref_slice %arg6[%mul3A_36] : memref<102400xf32, #tpu.memory_space<hbm>> -> memref<6400xf32, #tpu.memory_space<hbm>>
        %dma_start3A_37 = tpu.memref_slice %arg6[%mul3A_36] : memref<102400xf32, #tpu.memory_space<hbm>> -> memref<6400xf32, #tpu.memory_space<hbm>>
        tpu.enqueue_dma source(%dma_start3A_37 : memref<6400xf32, #tpu.memory_space<hbm>>) target(%arg25 : memref<6400xf32, #tpu.memory_space<vmem>>) target_semaphore(%run_scoped3A : memref<!tpu.dma_semaphore, #tpu.memory_space<semaphore_mem>>)
        %dma_wait3A = tpu.memref_slice %arg6[%mul3A_36] : memref<102400xf32, #tpu.memory_space<hbm>> -> memref<6400xf32, #tpu.memory_space<hbm>>
        %dma_wait3A_38 = tpu.memref_slice %arg6[%mul3A_36] : memref<102400xf32, #tpu.memory_space<hbm>> -> memref<6400xf32, #tpu.memory_space<hbm>>
        tpu.wait_dma2 semaphore(%run_scoped3A : memref<!tpu.dma_semaphore, #tpu.memory_space<semaphore_mem>>) src(%dma_wait3A_38 : memref<6400xf32, #tpu.memory_space<hbm>>) dst(%arg25 : memref<6400xf32, #tpu.memory_space<vmem>>)
        tpu.yield
      }) : () -> ()
      "tpu.region"() ({
        %run_scoped3A = tpu.sem_alloc : memref<!tpu.dma_semaphore, #tpu.memory_space<semaphore_mem>>
        %dma_start3A = arith.constant 0 : i32
        %dma_start3A_37 = tpu.memref_slice %arg17[%dma_start3A] : memref<2048xf32, #tpu.memory_space<vmem_shared>> -> memref<2048xf32, #tpu.memory_space<vmem_shared>>
        tpu.enqueue_indirect_dma source(%arg25 : memref<6400xf32, #tpu.memory_space<vmem>>) target(%dma_start3A_37 : memref<2048xf32, #tpu.memory_space<vmem_shared>>) offsets(%arg24 : memref<6400xi32, #tpu.memory_space<vmem>>) semaphore(%run_scoped3A : memref<!tpu.dma_semaphore, #tpu.memory_space<semaphore_mem>>) {add = true}
        %dma_wait3A = arith.constant 0 : i32
        %dma_wait3A_38 = tpu.memref_slice %arg17[%dma_wait3A] : memref<2048xf32, #tpu.memory_space<vmem_shared>> -> memref<2048xf32, #tpu.memory_space<vmem_shared>>
        tpu.wait_indirect_dma semaphore(%run_scoped3A : memref<!tpu.dma_semaphore, #tpu.memory_space<semaphore_mem>>) src(%arg25 : memref<6400xf32, #tpu.memory_space<vmem>>) dst(%dma_wait3A_38 : memref<2048xf32, #tpu.memory_space<vmem_shared>>)
        tpu.yield
      }) : () -> ()
      "tpu.region"() ({
        %run_scoped3A = tpu.sem_alloc : memref<!tpu.dma_semaphore, #tpu.memory_space<semaphore_mem>>
        %dma_start3A = arith.constant 0 : i32
        %dma_start3A_37 = tpu.memref_slice %arg23[%dma_start3A] : memref<10000xf32, #tpu.memory_space<vmem>> -> memref<6400xf32, #tpu.memory_space<vmem>>
        %dma_start3A_38 = arith.constant 0 : i32
        %dma_start3A_39 = tpu.memref_slice %arg18[%dma_start3A_38] : memref<2048xf32, #tpu.memory_space<vmem_shared>> -> memref<2048xf32, #tpu.memory_space<vmem_shared>>
        tpu.enqueue_indirect_dma source(%dma_start3A_37 : memref<6400xf32, #tpu.memory_space<vmem>>) target(%dma_start3A_39 : memref<2048xf32, #tpu.memory_space<vmem_shared>>) offsets(%arg24 : memref<6400xi32, #tpu.memory_space<vmem>>) semaphore(%run_scoped3A : memref<!tpu.dma_semaphore, #tpu.memory_space<semaphore_mem>>) {add = true}
        %dma_wait3A = arith.constant 0 : i32
        %dma_wait3A_40 = tpu.memref_slice %arg23[%dma_wait3A] : memref<10000xf32, #tpu.memory_space<vmem>> -> memref<6400xf32, #tpu.memory_space<vmem>>
        %dma_wait3A_41 = arith.constant 0 : i32
        %dma_wait3A_42 = tpu.memref_slice %arg18[%dma_wait3A_41] : memref<2048xf32, #tpu.memory_space<vmem_shared>> -> memref<2048xf32, #tpu.memory_space<vmem_shared>>
        tpu.wait_indirect_dma semaphore(%run_scoped3A : memref<!tpu.dma_semaphore, #tpu.memory_space<semaphore_mem>>) src(%dma_wait3A_40 : memref<6400xf32, #tpu.memory_space<vmem>>) dst(%dma_wait3A_42 : memref<2048xf32, #tpu.memory_space<vmem_shared>>)
        tpu.yield
      }) : () -> ()
    } else {
    }
    %barrier3A_13 = arith.constant 0 : index
    tpu.barrier barrier_id(%barrier3A_13)
    %eq3A_14 = arith.constant 0 : i32
    %eq3A_15 = arith.cmpi eq, %arg0, %eq3A_14 : i32
    %convert_element_type3A_16 = arith.extui %eq3A_15 : i1 to i32
    %cond3A_17 = arith.constant 0 : i32
    %cond3A_18 = arith.cmpi ne, %convert_element_type3A_16, %cond3A_17 : i32
    scf.if %cond3A_18 {
      %mul3A_35 = arith.constant 6400 : i32
      %mul3A_36 = arith.muli %arg1, %mul3A_35 : i32
      "tpu.region"() ({
        %run_scoped3A = tpu.sem_alloc : memref<!tpu.dma_semaphore, #tpu.memory_space<semaphore_mem>>
        %dma_start3A = tpu.memref_slice %arg13[%mul3A_36] : memref<102400xf32, #tpu.memory_space<vmem_shared>> -> memref<6400xf32, #tpu.memory_space<vmem_shared>>
        %dma_start3A_43 = tpu.memref_slice %arg13[%mul3A_36] : memref<102400xf32, #tpu.memory_space<vmem_shared>> -> memref<6400xf32, #tpu.memory_space<vmem_shared>>
        tpu.enqueue_dma source(%dma_start3A_43 : memref<6400xf32, #tpu.memory_space<vmem_shared>>) target(%arg26 : memref<6400xf32, #tpu.memory_space<vmem>>) target_semaphore(%run_scoped3A : memref<!tpu.dma_semaphore, #tpu.memory_space<semaphore_mem>>)
        %dma_wait3A = tpu.memref_slice %arg13[%mul3A_36] : memref<102400xf32, #tpu.memory_space<vmem_shared>> -> memref<6400xf32, #tpu.memory_space<vmem_shared>>
        %dma_wait3A_44 = tpu.memref_slice %arg13[%mul3A_36] : memref<102400xf32, #tpu.memory_space<vmem_shared>> -> memref<6400xf32, #tpu.memory_space<vmem_shared>>
        tpu.wait_dma2 semaphore(%run_scoped3A : memref<!tpu.dma_semaphore, #tpu.memory_space<semaphore_mem>>) src(%dma_wait3A_44 : memref<6400xf32, #tpu.memory_space<vmem_shared>>) dst(%arg26 : memref<6400xf32, #tpu.memory_space<vmem>>)
        tpu.yield
      }) : () -> ()
      "tpu.region"() ({
        %run_scoped3A = tpu.sem_alloc : memref<!tpu.dma_semaphore, #tpu.memory_space<semaphore_mem>>
        %dma_start3A = tpu.memref_slice %arg14[%mul3A_36] : memref<102400xf32, #tpu.memory_space<vmem_shared>> -> memref<6400xf32, #tpu.memory_space<vmem_shared>>
        %dma_start3A_43 = tpu.memref_slice %arg14[%mul3A_36] : memref<102400xf32, #tpu.memory_space<vmem_shared>> -> memref<6400xf32, #tpu.memory_space<vmem_shared>>
        tpu.enqueue_dma source(%dma_start3A_43 : memref<6400xf32, #tpu.memory_space<vmem_shared>>) target(%arg27 : memref<6400xf32, #tpu.memory_space<vmem>>) target_semaphore(%run_scoped3A : memref<!tpu.dma_semaphore, #tpu.memory_space<semaphore_mem>>)
        %dma_wait3A = tpu.memref_slice %arg14[%mul3A_36] : memref<102400xf32, #tpu.memory_space<vmem_shared>> -> memref<6400xf32, #tpu.memory_space<vmem_shared>>
        %dma_wait3A_44 = tpu.memref_slice %arg14[%mul3A_36] : memref<102400xf32, #tpu.memory_space<vmem_shared>> -> memref<6400xf32, #tpu.memory_space<vmem_shared>>
        tpu.wait_dma2 semaphore(%run_scoped3A : memref<!tpu.dma_semaphore, #tpu.memory_space<semaphore_mem>>) src(%dma_wait3A_44 : memref<6400xf32, #tpu.memory_space<vmem_shared>>) dst(%arg27 : memref<6400xf32, #tpu.memory_space<vmem>>)
        tpu.yield
      }) : () -> ()
      %scan3A = arith.constant 0 : i32
      %scan3A_37 = arith.constant 0 : i32
      %scan3A_38 = arith.constant 400 : i32
      %scan3A_39 = arith.addi %scan3A_37, %scan3A_38 : i32
      %scan3A_40 = arith.constant 1 : i32
      %scan3A_41 = scf.for %scan3A_43 = %scan3A_37 to %scan3A_39 step %scan3A_40 iter_args(%scan3A_44 = %scan3A) -> (i32)  : i32 {
        %mul3A_45 = arith.constant 16 : i32
        %mul3A_46 = arith.muli %scan3A_43, %mul3A_45 : i32
        %get3A = arith.index_cast %mul3A_46 : i32 to index
        %get3A_47 = tpu.vector_load %arg26[%get3A] {strides = array<i32>} : memref<6400xf32, #tpu.memory_space<vmem>>, vector<16xf32>,
        %get3A_48 = vector.shape_cast %get3A_47 : vector<16xf32> to vector<16xf32>
        %mul3A_49 = arith.constant 16 : i32
        %mul3A_50 = arith.muli %scan3A_43, %mul3A_49 : i32
        %get3A_51 = arith.index_cast %mul3A_50 : i32 to index
        %get3A_52 = tpu.vector_load %arg27[%get3A_51] {strides = array<i32>} : memref<6400xf32, #tpu.memory_space<vmem>>, vector<16xf32>,
        %get3A_53 = vector.shape_cast %get3A_52 : vector<16xf32> to vector<16xf32>
        %mul3A_54 = arith.constant 5.000000e-01 : f32
        %mul3A_55 = vector.broadcast %mul3A_54 : f32 to vector<16xf32>
        %mul3A_56 = arith.mulf %mul3A_55, %get3A_48 : vector<16xf32>
        %max3A = arith.constant 1.000000e+00 : f32
        %max3A_57 = vector.broadcast %max3A : f32 to vector<16xf32>
        %max3A_58 = arith.maximumf %get3A_53, %max3A_57 : vector<16xf32>
        %div3A = arith.divf %mul3A_56, %max3A_58 : vector<16xf32>
        %mul3A_59 = arith.constant 16 : i32
        %mul3A_60 = arith.muli %scan3A_43, %mul3A_59 : i32
        %swap3A = arith.index_cast %mul3A_60 : i32 to index
        %swap3A_61 = tpu.vector_load %arg26[%swap3A] {strides = array<i32>} : memref<6400xf32, #tpu.memory_space<vmem>>, vector<16xf32>,
        %swap3A_62 = vector.shape_cast %swap3A_61 : vector<16xf32> to vector<16xf32>
        %swap3A_63 = vector.shape_cast %div3A : vector<16xf32> to vector<16xf32>
        tpu.vector_store %arg26[%swap3A], %swap3A_63 {strides = array<i32>} : memref<6400xf32, #tpu.memory_space<vmem>>, vector<16xf32>,
        %scan3A_64 = arith.constant 0 : i32
        scf.yield %scan3A_64 : i32
      }
      %scan3A_42 = arith.constant 400 : i32
      "tpu.region"() ({
        %run_scoped3A = tpu.sem_alloc : memref<!tpu.dma_semaphore, #tpu.memory_space<semaphore_mem>>
        %dma_start3A = tpu.memref_slice %arg7[%mul3A_36] : memref<102400xi32, #tpu.memory_space<hbm>> -> memref<6400xi32, #tpu.memory_space<hbm>>
        %dma_start3A_43 = tpu.memref_slice %arg7[%mul3A_36] : memref<102400xi32, #tpu.memory_space<hbm>> -> memref<6400xi32, #tpu.memory_space<hbm>>
        tpu.enqueue_dma source(%dma_start3A_43 : memref<6400xi32, #tpu.memory_space<hbm>>) target(%arg24 : memref<6400xi32, #tpu.memory_space<vmem>>) target_semaphore(%run_scoped3A : memref<!tpu.dma_semaphore, #tpu.memory_space<semaphore_mem>>)
        %dma_wait3A = tpu.memref_slice %arg7[%mul3A_36] : memref<102400xi32, #tpu.memory_space<hbm>> -> memref<6400xi32, #tpu.memory_space<hbm>>
        %dma_wait3A_44 = tpu.memref_slice %arg7[%mul3A_36] : memref<102400xi32, #tpu.memory_space<hbm>> -> memref<6400xi32, #tpu.memory_space<hbm>>
        tpu.wait_dma2 semaphore(%run_scoped3A : memref<!tpu.dma_semaphore, #tpu.memory_space<semaphore_mem>>) src(%dma_wait3A_44 : memref<6400xi32, #tpu.memory_space<hbm>>) dst(%arg24 : memref<6400xi32, #tpu.memory_space<vmem>>)
        tpu.yield
      }) : () -> ()
      "tpu.region"() ({
        %run_scoped3A = tpu.sem_alloc : memref<!tpu.dma_semaphore, #tpu.memory_space<semaphore_mem>>
        %dma_start3A = arith.constant 0 : i32
        %dma_start3A_43 = tpu.memref_slice %arg15[%dma_start3A] : memref<2048xf32, #tpu.memory_space<vmem_shared>> -> memref<2048xf32, #tpu.memory_space<vmem_shared>>
        tpu.enqueue_indirect_dma source(%arg26 : memref<6400xf32, #tpu.memory_space<vmem>>) target(%dma_start3A_43 : memref<2048xf32, #tpu.memory_space<vmem_shared>>) offsets(%arg24 : memref<6400xi32, #tpu.memory_space<vmem>>) semaphore(%run_scoped3A : memref<!tpu.dma_semaphore, #tpu.memory_space<semaphore_mem>>) {add = true}
        %dma_wait3A = arith.constant 0 : i32
        %dma_wait3A_44 = tpu.memref_slice %arg15[%dma_wait3A] : memref<2048xf32, #tpu.memory_space<vmem_shared>> -> memref<2048xf32, #tpu.memory_space<vmem_shared>>
        tpu.wait_indirect_dma semaphore(%run_scoped3A : memref<!tpu.dma_semaphore, #tpu.memory_space<semaphore_mem>>) src(%arg26 : memref<6400xf32, #tpu.memory_space<vmem>>) dst(%dma_wait3A_44 : memref<2048xf32, #tpu.memory_space<vmem_shared>>)
        tpu.yield
      }) : () -> ()
      "tpu.region"() ({
        %run_scoped3A = tpu.sem_alloc : memref<!tpu.dma_semaphore, #tpu.memory_space<semaphore_mem>>
        %dma_start3A = arith.constant 0 : i32
        %dma_start3A_43 = tpu.memref_slice %arg23[%dma_start3A] : memref<10000xf32, #tpu.memory_space<vmem>> -> memref<6400xf32, #tpu.memory_space<vmem>>
        %dma_start3A_44 = arith.constant 0 : i32
        %dma_start3A_45 = tpu.memref_slice %arg18[%dma_start3A_44] : memref<2048xf32, #tpu.memory_space<vmem_shared>> -> memref<2048xf32, #tpu.memory_space<vmem_shared>>
        tpu.enqueue_indirect_dma source(%dma_start3A_43 : memref<6400xf32, #tpu.memory_space<vmem>>) target(%dma_start3A_45 : memref<2048xf32, #tpu.memory_space<vmem_shared>>) offsets(%arg24 : memref<6400xi32, #tpu.memory_space<vmem>>) semaphore(%run_scoped3A : memref<!tpu.dma_semaphore, #tpu.memory_space<semaphore_mem>>) {add = true}
        %dma_wait3A = arith.constant 0 : i32
        %dma_wait3A_46 = tpu.memref_slice %arg23[%dma_wait3A] : memref<10000xf32, #tpu.memory_space<vmem>> -> memref<6400xf32, #tpu.memory_space<vmem>>
        %dma_wait3A_47 = arith.constant 0 : i32
        %dma_wait3A_48 = tpu.memref_slice %arg18[%dma_wait3A_47] : memref<2048xf32, #tpu.memory_space<vmem_shared>> -> memref<2048xf32, #tpu.memory_space<vmem_shared>>
        tpu.wait_indirect_dma semaphore(%run_scoped3A : memref<!tpu.dma_semaphore, #tpu.memory_space<semaphore_mem>>) src(%dma_wait3A_46 : memref<6400xf32, #tpu.memory_space<vmem>>) dst(%dma_wait3A_48 : memref<2048xf32, #tpu.memory_space<vmem_shared>>)
        tpu.yield
      }) : () -> ()
    } else {
    }
    %barrier3A_19 = arith.constant 0 : index
    tpu.barrier barrier_id(%barrier3A_19)
    %eq3A_20 = arith.constant 0 : i32
    %eq3A_21 = arith.cmpi eq, %arg0, %eq3A_20 : i32
    %eq3A_22 = arith.constant 0 : i32
    %eq3A_23 = arith.cmpi eq, %arg1, %eq3A_22 : i32
    %and3A = arith.andi %eq3A_21, %eq3A_23 : i1
    %convert_element_type3A_24 = arith.extui %and3A : i1 to i32
    %cond3A_25 = arith.constant 0 : i32
    %cond3A_26 = arith.cmpi ne, %convert_element_type3A_24, %cond3A_25 : i32
    scf.if %cond3A_26 {
      "tpu.region"() ({
        %run_scoped3A = tpu.sem_alloc : memref<!tpu.dma_semaphore, #tpu.memory_space<semaphore_mem>>
        tpu.enqueue_dma source(%arg8 : memref<1024xf32, #tpu.memory_space<hbm>>) target(%arg28 : memref<1024xf32, #tpu.memory_space<vmem>>) target_semaphore(%run_scoped3A : memref<!tpu.dma_semaphore, #tpu.memory_space<semaphore_mem>>)
        tpu.wait_dma2 semaphore(%run_scoped3A : memref<!tpu.dma_semaphore, #tpu.memory_space<semaphore_mem>>) src(%arg8 : memref<1024xf32, #tpu.memory_space<hbm>>) dst(%arg28 : memref<1024xf32, #tpu.memory_space<vmem>>)
        tpu.yield
      }) : () -> ()
      "tpu.region"() ({
        %run_scoped3A = tpu.sem_alloc : memref<!tpu.dma_semaphore, #tpu.memory_space<semaphore_mem>>
        %dma_start3A = arith.constant 0 : i32
        %dma_start3A_44 = tpu.memref_slice %arg18[%dma_start3A] : memref<2048xf32, #tpu.memory_space<vmem_shared>> -> memref<1024xf32, #tpu.memory_space<vmem_shared>>
        %dma_start3A_45 = arith.constant 0 : i32
        %dma_start3A_46 = tpu.memref_slice %arg18[%dma_start3A_45] : memref<2048xf32, #tpu.memory_space<vmem_shared>> -> memref<1024xf32, #tpu.memory_space<vmem_shared>>
        tpu.enqueue_dma source(%dma_start3A_46 : memref<1024xf32, #tpu.memory_space<vmem_shared>>) target(%arg30 : memref<1024xf32, #tpu.memory_space<vmem>>) target_semaphore(%run_scoped3A : memref<!tpu.dma_semaphore, #tpu.memory_space<semaphore_mem>>)
        %dma_wait3A = arith.constant 0 : i32
        %dma_wait3A_47 = tpu.memref_slice %arg18[%dma_wait3A] : memref<2048xf32, #tpu.memory_space<vmem_shared>> -> memref<1024xf32, #tpu.memory_space<vmem_shared>>
        %dma_wait3A_48 = arith.constant 0 : i32
        %dma_wait3A_49 = tpu.memref_slice %arg18[%dma_wait3A_48] : memref<2048xf32, #tpu.memory_space<vmem_shared>> -> memref<1024xf32, #tpu.memory_space<vmem_shared>>
        tpu.wait_dma2 semaphore(%run_scoped3A : memref<!tpu.dma_semaphore, #tpu.memory_space<semaphore_mem>>) src(%dma_wait3A_49 : memref<1024xf32, #tpu.memory_space<vmem_shared>>) dst(%arg30 : memref<1024xf32, #tpu.memory_space<vmem>>)
        tpu.yield
      }) : () -> ()
      "tpu.region"() ({
        %run_scoped3A = tpu.sem_alloc : memref<!tpu.dma_semaphore, #tpu.memory_space<semaphore_mem>>
        %dma_start3A = arith.constant 0 : i32
        %dma_start3A_44 = tpu.memref_slice %arg15[%dma_start3A] : memref<2048xf32, #tpu.memory_space<vmem_shared>> -> memref<1024xf32, #tpu.memory_space<vmem_shared>>
        %dma_start3A_45 = arith.constant 0 : i32
        %dma_start3A_46 = tpu.memref_slice %arg15[%dma_start3A_45] : memref<2048xf32, #tpu.memory_space<vmem_shared>> -> memref<1024xf32, #tpu.memory_space<vmem_shared>>
        tpu.enqueue_dma source(%dma_start3A_46 : memref<1024xf32, #tpu.memory_space<vmem_shared>>) target(%arg29 : memref<1024xf32, #tpu.memory_space<vmem>>) target_semaphore(%run_scoped3A : memref<!tpu.dma_semaphore, #tpu.memory_space<semaphore_mem>>)
        %dma_wait3A = arith.constant 0 : i32
        %dma_wait3A_47 = tpu.memref_slice %arg15[%dma_wait3A] : memref<2048xf32, #tpu.memory_space<vmem_shared>> -> memref<1024xf32, #tpu.memory_space<vmem_shared>>
        %dma_wait3A_48 = arith.constant 0 : i32
        %dma_wait3A_49 = tpu.memref_slice %arg15[%dma_wait3A_48] : memref<2048xf32, #tpu.memory_space<vmem_shared>> -> memref<1024xf32, #tpu.memory_space<vmem_shared>>
        tpu.wait_dma2 semaphore(%run_scoped3A : memref<!tpu.dma_semaphore, #tpu.memory_space<semaphore_mem>>) src(%dma_wait3A_49 : memref<1024xf32, #tpu.memory_space<vmem_shared>>) dst(%arg29 : memref<1024xf32, #tpu.memory_space<vmem>>)
        tpu.yield
      }) : () -> ()
      %broadcast_in_dim3A = arith.constant 0.000000e+00 : f32
      %broadcast_in_dim3A_35 = vector.broadcast %broadcast_in_dim3A : f32 to vector<16xf32>
      %scan3A = arith.constant 0 : i32
      %scan3A_36 = arith.constant 64 : i32
      %scan3A_37 = arith.addi %scan3A, %scan3A_36 : i32
      %scan3A_38 = arith.constant 1 : i32
      %scan3A_39 = scf.for %scan3A_44 = %scan3A to %scan3A_37 step %scan3A_38 iter_args(%scan3A_45 = %broadcast_in_dim3A_35) -> (vector<16xf32>)  : i32 {
        %mul3A_46 = arith.constant 16 : i32
        %mul3A_47 = arith.muli %scan3A_44, %mul3A_46 : i32
        %get3A = arith.index_cast %mul3A_47 : i32 to index
        %get3A_48 = tpu.vector_load %arg29[%get3A] {strides = array<i32>} : memref<1024xf32, #tpu.memory_space<vmem>>, vector<16xf32>,
        %get3A_49 = vector.shape_cast %get3A_48 : vector<16xf32> to vector<16xf32>
        %mul3A_50 = arith.constant 16 : i32
        %mul3A_51 = arith.muli %scan3A_44, %mul3A_50 : i32
        %get3A_52 = arith.index_cast %mul3A_51 : i32 to index
        %get3A_53 = tpu.vector_load %arg30[%get3A_52] {strides = array<i32>} : memref<1024xf32, #tpu.memory_space<vmem>>, vector<16xf32>,
        %get3A_54 = vector.shape_cast %get3A_53 : vector<16xf32> to vector<16xf32>
        %mul3A_55 = arith.constant 16 : i32
        %mul3A_56 = arith.muli %scan3A_44, %mul3A_55 : i32
        %get3A_57 = arith.index_cast %mul3A_56 : i32 to index
        %get3A_58 = tpu.vector_load %arg28[%get3A_57] {strides = array<i32>} : memref<1024xf32, #tpu.memory_space<vmem>>, vector<16xf32>,
        %get3A_59 = vector.shape_cast %get3A_58 : vector<16xf32> to vector<16xf32>
        %max3A = arith.constant 1.000000e+00 : f32
        %max3A_60 = vector.broadcast %max3A : f32 to vector<16xf32>
        %max3A_61 = arith.maximumf %get3A_54, %max3A_60 : vector<16xf32>
        %div3A = arith.divf %get3A_49, %max3A_61 : vector<16xf32>
        %ne3A = arith.cmpf one, %div3A, %div3A : vector<16xf32>
        %mul3A_62 = arith.mulf %div3A, %get3A_59 : vector<16xf32>
        %jit3A = arith.constant 0.000000e+00 : f32
        %broadcast_in_dim3A_63 = vector.broadcast %jit3A : f32 to vector<16xf32>
        %select_n3A = arith.select %ne3A, %broadcast_in_dim3A_63, %mul3A_62 : vector<16xi1>, vector<16xf32>
        %add3A = arith.addf %scan3A_45, %select_n3A : vector<16xf32>
        scf.yield %add3A : vector<16xf32>
      }
      %scan3A_40 = arith.constant 64 : i32
      %swap3A = arith.constant 0 : index
      %swap3A_41 = tpu.vector_load %arg31[%swap3A] {strides = array<i32>} : memref<48xf32, #tpu.memory_space<vmem>>, vector<16xf32>,
      %swap3A_42 = vector.shape_cast %swap3A_41 : vector<16xf32> to vector<16xf32>
      %swap3A_43 = vector.shape_cast %scan3A_39 : vector<16xf32> to vector<16xf32>
      tpu.vector_store %arg31[%swap3A], %swap3A_43 {strides = array<i32>} : memref<48xf32, #tpu.memory_space<vmem>>, vector<16xf32>,
      "tpu.region"() ({
        %run_scoped3A = tpu.sem_alloc : memref<!tpu.dma_semaphore, #tpu.memory_space<semaphore_mem>>
        %dma_start3A = arith.constant 0 : i32
        %dma_start3A_44 = tpu.memref_slice %arg31[%dma_start3A] : memref<48xf32, #tpu.memory_space<vmem>> -> memref<16xf32, #tpu.memory_space<vmem>>
        %dma_start3A_45 = arith.constant 0 : i32
        %dma_start3A_46 = tpu.memref_slice %arg31[%dma_start3A_45] : memref<48xf32, #tpu.memory_space<vmem>> -> memref<16xf32, #tpu.memory_space<vmem>>
        tpu.enqueue_dma source(%dma_start3A_46 : memref<16xf32, #tpu.memory_space<vmem>>) target(%arg11 : memref<16xf32, #tpu.memory_space<hbm>>) target_semaphore(%run_scoped3A : memref<!tpu.dma_semaphore, #tpu.memory_space<semaphore_mem>>)
        %dma_wait3A = arith.constant 0 : i32
        %dma_wait3A_47 = tpu.memref_slice %arg31[%dma_wait3A] : memref<48xf32, #tpu.memory_space<vmem>> -> memref<16xf32, #tpu.memory_space<vmem>>
        %dma_wait3A_48 = arith.constant 0 : i32
        %dma_wait3A_49 = tpu.memref_slice %arg31[%dma_wait3A_48] : memref<48xf32, #tpu.memory_space<vmem>> -> memref<16xf32, #tpu.memory_space<vmem>>
        tpu.wait_dma2 semaphore(%run_scoped3A : memref<!tpu.dma_semaphore, #tpu.memory_space<semaphore_mem>>) src(%dma_wait3A_49 : memref<16xf32, #tpu.memory_space<vmem>>) dst(%arg11 : memref<16xf32, #tpu.memory_space<hbm>>)
        tpu.yield
      }) : () -> ()
    } else {
    }
    %eq3A_27 = arith.constant 1 : i32
    %eq3A_28 = arith.cmpi eq, %arg0, %eq3A_27 : i32
    %eq3A_29 = arith.constant 0 : i32
    %eq3A_30 = arith.cmpi eq, %arg1, %eq3A_29 : i32
    %and3A_31 = arith.andi %eq3A_28, %eq3A_30 : i1
    %convert_element_type3A_32 = arith.extui %and3A_31 : i1 to i32
    %cond3A_33 = arith.constant 0 : i32
    %cond3A_34 = arith.cmpi ne, %convert_element_type3A_32, %cond3A_33 : i32
    scf.if %cond3A_34 {
      "tpu.region"() ({
        %run_scoped3A = tpu.sem_alloc : memref<!tpu.dma_semaphore, #tpu.memory_space<semaphore_mem>>
        tpu.enqueue_dma source(%arg8 : memref<1024xf32, #tpu.memory_space<hbm>>) target(%arg28 : memref<1024xf32, #tpu.memory_space<vmem>>) target_semaphore(%run_scoped3A : memref<!tpu.dma_semaphore, #tpu.memory_space<semaphore_mem>>)
        tpu.wait_dma2 semaphore(%run_scoped3A : memref<!tpu.dma_semaphore, #tpu.memory_space<semaphore_mem>>) src(%arg8 : memref<1024xf32, #tpu.memory_space<hbm>>) dst(%arg28 : memref<1024xf32, #tpu.memory_space<vmem>>)
        tpu.yield
      }) : () -> ()
      "tpu.region"() ({
        %run_scoped3A = tpu.sem_alloc : memref<!tpu.dma_semaphore, #tpu.memory_space<semaphore_mem>>
        %dma_start3A = arith.constant 0 : i32
        %dma_start3A_68 = tpu.memref_slice %arg18[%dma_start3A] : memref<2048xf32, #tpu.memory_space<vmem_shared>> -> memref<1024xf32, #tpu.memory_space<vmem_shared>>
        %dma_start3A_69 = arith.constant 0 : i32
        %dma_start3A_70 = tpu.memref_slice %arg18[%dma_start3A_69] : memref<2048xf32, #tpu.memory_space<vmem_shared>> -> memref<1024xf32, #tpu.memory_space<vmem_shared>>
        tpu.enqueue_dma source(%dma_start3A_70 : memref<1024xf32, #tpu.memory_space<vmem_shared>>) target(%arg30 : memref<1024xf32, #tpu.memory_space<vmem>>) target_semaphore(%run_scoped3A : memref<!tpu.dma_semaphore, #tpu.memory_space<semaphore_mem>>)
        %dma_wait3A = arith.constant 0 : i32
        %dma_wait3A_71 = tpu.memref_slice %arg18[%dma_wait3A] : memref<2048xf32, #tpu.memory_space<vmem_shared>> -> memref<1024xf32, #tpu.memory_space<vmem_shared>>
        %dma_wait3A_72 = arith.constant 0 : i32
        %dma_wait3A_73 = tpu.memref_slice %arg18[%dma_wait3A_72] : memref<2048xf32, #tpu.memory_space<vmem_shared>> -> memref<1024xf32, #tpu.memory_space<vmem_shared>>
        tpu.wait_dma2 semaphore(%run_scoped3A : memref<!tpu.dma_semaphore, #tpu.memory_space<semaphore_mem>>) src(%dma_wait3A_73 : memref<1024xf32, #tpu.memory_space<vmem_shared>>) dst(%arg30 : memref<1024xf32, #tpu.memory_space<vmem>>)
        tpu.yield
      }) : () -> ()
      "tpu.region"() ({
        %run_scoped3A = tpu.sem_alloc : memref<!tpu.dma_semaphore, #tpu.memory_space<semaphore_mem>>
        %dma_start3A = arith.constant 0 : i32
        %dma_start3A_68 = tpu.memref_slice %arg15[%dma_start3A] : memref<2048xf32, #tpu.memory_space<vmem_shared>> -> memref<1024xf32, #tpu.memory_space<vmem_shared>>
        %dma_start3A_69 = arith.constant 0 : i32
        %dma_start3A_70 = tpu.memref_slice %arg15[%dma_start3A_69] : memref<2048xf32, #tpu.memory_space<vmem_shared>> -> memref<1024xf32, #tpu.memory_space<vmem_shared>>
        tpu.enqueue_dma source(%dma_start3A_70 : memref<1024xf32, #tpu.memory_space<vmem_shared>>) target(%arg29 : memref<1024xf32, #tpu.memory_space<vmem>>) target_semaphore(%run_scoped3A : memref<!tpu.dma_semaphore, #tpu.memory_space<semaphore_mem>>)
        %dma_wait3A = arith.constant 0 : i32
        %dma_wait3A_71 = tpu.memref_slice %arg15[%dma_wait3A] : memref<2048xf32, #tpu.memory_space<vmem_shared>> -> memref<1024xf32, #tpu.memory_space<vmem_shared>>
        %dma_wait3A_72 = arith.constant 0 : i32
        %dma_wait3A_73 = tpu.memref_slice %arg15[%dma_wait3A_72] : memref<2048xf32, #tpu.memory_space<vmem_shared>> -> memref<1024xf32, #tpu.memory_space<vmem_shared>>
        tpu.wait_dma2 semaphore(%run_scoped3A : memref<!tpu.dma_semaphore, #tpu.memory_space<semaphore_mem>>) src(%dma_wait3A_73 : memref<1024xf32, #tpu.memory_space<vmem_shared>>) dst(%arg29 : memref<1024xf32, #tpu.memory_space<vmem>>)
        tpu.yield
      }) : () -> ()
      %broadcast_in_dim3A = arith.constant 0.000000e+00 : f32
      %broadcast_in_dim3A_35 = vector.broadcast %broadcast_in_dim3A : f32 to vector<16xf32>
      %scan3A = arith.constant 0 : i32
      %scan3A_36 = arith.constant 64 : i32
      %scan3A_37 = arith.addi %scan3A, %scan3A_36 : i32
      %scan3A_38 = arith.constant 1 : i32
      %scan3A_39 = scf.for %scan3A_68 = %scan3A to %scan3A_37 step %scan3A_38 iter_args(%scan3A_69 = %broadcast_in_dim3A_35) -> (vector<16xf32>)  : i32 {
        %mul3A_70 = arith.constant 16 : i32
        %mul3A_71 = arith.muli %scan3A_68, %mul3A_70 : i32
        %get3A = arith.index_cast %mul3A_71 : i32 to index
        %get3A_72 = tpu.vector_load %arg29[%get3A] {strides = array<i32>} : memref<1024xf32, #tpu.memory_space<vmem>>, vector<16xf32>,
        %get3A_73 = vector.shape_cast %get3A_72 : vector<16xf32> to vector<16xf32>
        %mul3A_74 = arith.constant 16 : i32
        %mul3A_75 = arith.muli %scan3A_68, %mul3A_74 : i32
        %get3A_76 = arith.index_cast %mul3A_75 : i32 to index
        %get3A_77 = tpu.vector_load %arg30[%get3A_76] {strides = array<i32>} : memref<1024xf32, #tpu.memory_space<vmem>>, vector<16xf32>,
        %get3A_78 = vector.shape_cast %get3A_77 : vector<16xf32> to vector<16xf32>
        %mul3A_79 = arith.constant 16 : i32
        %mul3A_80 = arith.muli %scan3A_68, %mul3A_79 : i32
        %get3A_81 = arith.index_cast %mul3A_80 : i32 to index
        %get3A_82 = tpu.vector_load %arg28[%get3A_81] {strides = array<i32>} : memref<1024xf32, #tpu.memory_space<vmem>>, vector<16xf32>,
        %get3A_83 = vector.shape_cast %get3A_82 : vector<16xf32> to vector<16xf32>
        %max3A = arith.constant 1.000000e+00 : f32
        %max3A_84 = vector.broadcast %max3A : f32 to vector<16xf32>
        %max3A_85 = arith.maximumf %get3A_78, %max3A_84 : vector<16xf32>
        %div3A = arith.divf %get3A_73, %max3A_85 : vector<16xf32>
        %ne3A = arith.cmpf one, %div3A, %div3A : vector<16xf32>
        %mul3A_86 = arith.mulf %div3A, %get3A_83 : vector<16xf32>
        %jit3A = arith.constant 0.000000e+00 : f32
        %broadcast_in_dim3A_87 = vector.broadcast %jit3A : f32 to vector<16xf32>
        %select_n3A = arith.select %ne3A, %broadcast_in_dim3A_87, %mul3A_86 : vector<16xi1>, vector<16xf32>
        %add3A = arith.addf %scan3A_69, %select_n3A : vector<16xf32>
        scf.yield %add3A : vector<16xf32>
      }
      %scan3A_40 = arith.constant 64 : i32
      %swap3A = arith.constant 0 : index
      %swap3A_41 = tpu.vector_load %arg31[%swap3A] {strides = array<i32>} : memref<48xf32, #tpu.memory_space<vmem>>, vector<16xf32>,
      %swap3A_42 = vector.shape_cast %swap3A_41 : vector<16xf32> to vector<16xf32>
      %swap3A_43 = vector.shape_cast %scan3A_39 : vector<16xf32> to vector<16xf32>
      tpu.vector_store %arg31[%swap3A], %swap3A_43 {strides = array<i32>} : memref<48xf32, #tpu.memory_space<vmem>>, vector<16xf32>,
      "tpu.region"() ({
        %run_scoped3A = tpu.sem_alloc : memref<!tpu.dma_semaphore, #tpu.memory_space<semaphore_mem>>
        %dma_start3A = arith.constant 0 : i32
        %dma_start3A_68 = tpu.memref_slice %arg16[%dma_start3A] : memref<2048xf32, #tpu.memory_space<vmem_shared>> -> memref<1024xf32, #tpu.memory_space<vmem_shared>>
        %dma_start3A_69 = arith.constant 0 : i32
        %dma_start3A_70 = tpu.memref_slice %arg16[%dma_start3A_69] : memref<2048xf32, #tpu.memory_space<vmem_shared>> -> memref<1024xf32, #tpu.memory_space<vmem_shared>>
        tpu.enqueue_dma source(%dma_start3A_70 : memref<1024xf32, #tpu.memory_space<vmem_shared>>) target(%arg29 : memref<1024xf32, #tpu.memory_space<vmem>>) target_semaphore(%run_scoped3A : memref<!tpu.dma_semaphore, #tpu.memory_space<semaphore_mem>>)
        %dma_wait3A = arith.constant 0 : i32
        %dma_wait3A_71 = tpu.memref_slice %arg16[%dma_wait3A] : memref<2048xf32, #tpu.memory_space<vmem_shared>> -> memref<1024xf32, #tpu.memory_space<vmem_shared>>
        %dma_wait3A_72 = arith.constant 0 : i32
        %dma_wait3A_73 = tpu.memref_slice %arg16[%dma_wait3A_72] : memref<2048xf32, #tpu.memory_space<vmem_shared>> -> memref<1024xf32, #tpu.memory_space<vmem_shared>>
        tpu.wait_dma2 semaphore(%run_scoped3A : memref<!tpu.dma_semaphore, #tpu.memory_space<semaphore_mem>>) src(%dma_wait3A_73 : memref<1024xf32, #tpu.memory_space<vmem_shared>>) dst(%arg29 : memref<1024xf32, #tpu.memory_space<vmem>>)
        tpu.yield
      }) : () -> ()
      %broadcast_in_dim3A_44 = arith.constant 0.000000e+00 : f32
      %broadcast_in_dim3A_45 = vector.broadcast %broadcast_in_dim3A_44 : f32 to vector<16xf32>
      %scan3A_46 = arith.constant 0 : i32
      %scan3A_47 = arith.constant 64 : i32
      %scan3A_48 = arith.addi %scan3A_46, %scan3A_47 : i32
      %scan3A_49 = arith.constant 1 : i32
      %scan3A_50 = scf.for %scan3A_68 = %scan3A_46 to %scan3A_48 step %scan3A_49 iter_args(%scan3A_69 = %broadcast_in_dim3A_45) -> (vector<16xf32>)  : i32 {
        %mul3A_70 = arith.constant 16 : i32
        %mul3A_71 = arith.muli %scan3A_68, %mul3A_70 : i32
        %get3A = arith.index_cast %mul3A_71 : i32 to index
        %get3A_72 = tpu.vector_load %arg29[%get3A] {strides = array<i32>} : memref<1024xf32, #tpu.memory_space<vmem>>, vector<16xf32>,
        %get3A_73 = vector.shape_cast %get3A_72 : vector<16xf32> to vector<16xf32>
        %mul3A_74 = arith.constant 16 : i32
        %mul3A_75 = arith.muli %scan3A_68, %mul3A_74 : i32
        %get3A_76 = arith.index_cast %mul3A_75 : i32 to index
        %get3A_77 = tpu.vector_load %arg30[%get3A_76] {strides = array<i32>} : memref<1024xf32, #tpu.memory_space<vmem>>, vector<16xf32>,
        %get3A_78 = vector.shape_cast %get3A_77 : vector<16xf32> to vector<16xf32>
        %mul3A_79 = arith.constant 16 : i32
        %mul3A_80 = arith.muli %scan3A_68, %mul3A_79 : i32
        %get3A_81 = arith.index_cast %mul3A_80 : i32 to index
        %get3A_82 = tpu.vector_load %arg28[%get3A_81] {strides = array<i32>} : memref<1024xf32, #tpu.memory_space<vmem>>, vector<16xf32>,
        %get3A_83 = vector.shape_cast %get3A_82 : vector<16xf32> to vector<16xf32>
        %max3A = arith.constant 1.000000e+00 : f32
        %max3A_84 = vector.broadcast %max3A : f32 to vector<16xf32>
        %max3A_85 = arith.maximumf %get3A_78, %max3A_84 : vector<16xf32>
        %div3A = arith.divf %get3A_73, %max3A_85 : vector<16xf32>
        %ne3A = arith.cmpf one, %div3A, %div3A : vector<16xf32>
        %mul3A_86 = arith.mulf %div3A, %get3A_83 : vector<16xf32>
        %jit3A = arith.constant 0.000000e+00 : f32
        %broadcast_in_dim3A_87 = vector.broadcast %jit3A : f32 to vector<16xf32>
        %select_n3A = arith.select %ne3A, %broadcast_in_dim3A_87, %mul3A_86 : vector<16xi1>, vector<16xf32>
        %add3A = arith.addf %scan3A_69, %select_n3A : vector<16xf32>
        scf.yield %add3A : vector<16xf32>
      }
      %scan3A_51 = arith.constant 64 : i32
      %swap3A_52 = arith.constant 16 : index
      %swap3A_53 = tpu.vector_load %arg31[%swap3A_52] {strides = array<i32>} : memref<48xf32, #tpu.memory_space<vmem>>, vector<16xf32>,
      %swap3A_54 = vector.shape_cast %swap3A_53 : vector<16xf32> to vector<16xf32>
      %swap3A_55 = vector.shape_cast %scan3A_50 : vector<16xf32> to vector<16xf32>
      tpu.vector_store %arg31[%swap3A_52], %swap3A_55 {strides = array<i32>} : memref<48xf32, #tpu.memory_space<vmem>>, vector<16xf32>,
      "tpu.region"() ({
        %run_scoped3A = tpu.sem_alloc : memref<!tpu.dma_semaphore, #tpu.memory_space<semaphore_mem>>
        %dma_start3A = arith.constant 0 : i32
        %dma_start3A_68 = tpu.memref_slice %arg17[%dma_start3A] : memref<2048xf32, #tpu.memory_space<vmem_shared>> -> memref<1024xf32, #tpu.memory_space<vmem_shared>>
        %dma_start3A_69 = arith.constant 0 : i32
        %dma_start3A_70 = tpu.memref_slice %arg17[%dma_start3A_69] : memref<2048xf32, #tpu.memory_space<vmem_shared>> -> memref<1024xf32, #tpu.memory_space<vmem_shared>>
        tpu.enqueue_dma source(%dma_start3A_70 : memref<1024xf32, #tpu.memory_space<vmem_shared>>) target(%arg29 : memref<1024xf32, #tpu.memory_space<vmem>>) target_semaphore(%run_scoped3A : memref<!tpu.dma_semaphore, #tpu.memory_space<semaphore_mem>>)
        %dma_wait3A = arith.constant 0 : i32
        %dma_wait3A_71 = tpu.memref_slice %arg17[%dma_wait3A] : memref<2048xf32, #tpu.memory_space<vmem_shared>> -> memref<1024xf32, #tpu.memory_space<vmem_shared>>
        %dma_wait3A_72 = arith.constant 0 : i32
        %dma_wait3A_73 = tpu.memref_slice %arg17[%dma_wait3A_72] : memref<2048xf32, #tpu.memory_space<vmem_shared>> -> memref<1024xf32, #tpu.memory_space<vmem_shared>>
        tpu.wait_dma2 semaphore(%run_scoped3A : memref<!tpu.dma_semaphore, #tpu.memory_space<semaphore_mem>>) src(%dma_wait3A_73 : memref<1024xf32, #tpu.memory_space<vmem_shared>>) dst(%arg29 : memref<1024xf32, #tpu.memory_space<vmem>>)
        tpu.yield
      }) : () -> ()
      %broadcast_in_dim3A_56 = arith.constant 0.000000e+00 : f32
      %broadcast_in_dim3A_57 = vector.broadcast %broadcast_in_dim3A_56 : f32 to vector<16xf32>
      %scan3A_58 = arith.constant 0 : i32
      %scan3A_59 = arith.constant 64 : i32
      %scan3A_60 = arith.addi %scan3A_58, %scan3A_59 : i32
      %scan3A_61 = arith.constant 1 : i32
      %scan3A_62 = scf.for %scan3A_68 = %scan3A_58 to %scan3A_60 step %scan3A_61 iter_args(%scan3A_69 = %broadcast_in_dim3A_57) -> (vector<16xf32>)  : i32 {
        %mul3A_70 = arith.constant 16 : i32
        %mul3A_71 = arith.muli %scan3A_68, %mul3A_70 : i32
        %get3A = arith.index_cast %mul3A_71 : i32 to index
        %get3A_72 = tpu.vector_load %arg29[%get3A] {strides = array<i32>} : memref<1024xf32, #tpu.memory_space<vmem>>, vector<16xf32>,
        %get3A_73 = vector.shape_cast %get3A_72 : vector<16xf32> to vector<16xf32>
        %mul3A_74 = arith.constant 16 : i32
        %mul3A_75 = arith.muli %scan3A_68, %mul3A_74 : i32
        %get3A_76 = arith.index_cast %mul3A_75 : i32 to index
        %get3A_77 = tpu.vector_load %arg30[%get3A_76] {strides = array<i32>} : memref<1024xf32, #tpu.memory_space<vmem>>, vector<16xf32>,
        %get3A_78 = vector.shape_cast %get3A_77 : vector<16xf32> to vector<16xf32>
        %mul3A_79 = arith.constant 16 : i32
        %mul3A_80 = arith.muli %scan3A_68, %mul3A_79 : i32
        %get3A_81 = arith.index_cast %mul3A_80 : i32 to index
        %get3A_82 = tpu.vector_load %arg28[%get3A_81] {strides = array<i32>} : memref<1024xf32, #tpu.memory_space<vmem>>, vector<16xf32>,
        %get3A_83 = vector.shape_cast %get3A_82 : vector<16xf32> to vector<16xf32>
        %max3A = arith.constant 1.000000e+00 : f32
        %max3A_84 = vector.broadcast %max3A : f32 to vector<16xf32>
        %max3A_85 = arith.maximumf %get3A_78, %max3A_84 : vector<16xf32>
        %div3A = arith.divf %get3A_73, %max3A_85 : vector<16xf32>
        %ne3A = arith.cmpf one, %div3A, %div3A : vector<16xf32>
        %mul3A_86 = arith.mulf %div3A, %get3A_83 : vector<16xf32>
        %jit3A = arith.constant 0.000000e+00 : f32
        %broadcast_in_dim3A_87 = vector.broadcast %jit3A : f32 to vector<16xf32>
        %select_n3A = arith.select %ne3A, %broadcast_in_dim3A_87, %mul3A_86 : vector<16xi1>, vector<16xf32>
        %add3A = arith.addf %scan3A_69, %select_n3A : vector<16xf32>
        scf.yield %add3A : vector<16xf32>
      }
      %scan3A_63 = arith.constant 64 : i32
      %swap3A_64 = arith.constant 32 : index
      %swap3A_65 = tpu.vector_load %arg31[%swap3A_64] {strides = array<i32>} : memref<48xf32, #tpu.memory_space<vmem>>, vector<16xf32>,
      %swap3A_66 = vector.shape_cast %swap3A_65 : vector<16xf32> to vector<16xf32>
      %swap3A_67 = vector.shape_cast %scan3A_62 : vector<16xf32> to vector<16xf32>
      tpu.vector_store %arg31[%swap3A_64], %swap3A_67 {strides = array<i32>} : memref<48xf32, #tpu.memory_space<vmem>>, vector<16xf32>,
      "tpu.region"() ({
        %run_scoped3A = tpu.sem_alloc : memref<!tpu.dma_semaphore, #tpu.memory_space<semaphore_mem>>
        tpu.enqueue_dma source(%arg31 : memref<48xf32, #tpu.memory_space<vmem>>) target(%arg12 : memref<48xf32, #tpu.memory_space<hbm>>) target_semaphore(%run_scoped3A : memref<!tpu.dma_semaphore, #tpu.memory_space<semaphore_mem>>)
        tpu.wait_dma2 semaphore(%run_scoped3A : memref<!tpu.dma_semaphore, #tpu.memory_space<semaphore_mem>>) src(%arg31 : memref<48xf32, #tpu.memory_space<vmem>>) dst(%arg12 : memref<48xf32, #tpu.memory_space<hbm>>)
        tpu.yield
      }) : () -> ()
    } else {
    }
    return
  }
}

module attributes {stable_mosaic.version = 14 : i64} {
  func.func @_bond_ce_body(%arg0: i32, %arg1: memref<16384xf32, #tpu.memory_space<vmem>>, %arg2: memref<16384xf32, #tpu.memory_space<vmem>>, %arg3: memref<16384xf32, #tpu.memory_space<vmem>>, %arg4: memref<16384xf32, #tpu.memory_space<vmem>>, %arg5: memref<16384xf32, #tpu.memory_space<vmem>>, %arg6: memref<16384xi32, #tpu.memory_space<vmem>>, %arg7: memref<16384xf32, #tpu.memory_space<vmem>>) attributes {dimension_semantics = [#tpu.dimension_semantics<arbitrary>], iteration_bounds = array<i64: 98>, scalar_prefetch = 0 : i64, scratch_operands = 0 : i64, tpu.core_type = #tpu.core_type<tc>, window_params = [{transform_indices = @transform_0, window_bounds = array<i64: 16384>}, {transform_indices = @transform_1, window_bounds = array<i64: 16384>}, {transform_indices = @transform_2, window_bounds = array<i64: 16384>}, {transform_indices = @transform_3, window_bounds = array<i64: 16384>}, {transform_indices = @transform_4, window_bounds = array<i64: 16384>}, {transform_indices = @transform_5, window_bounds = array<i64: 16384>}, {transform_indices = @transform_6, window_bounds = array<i64: 16384>}]} {
    %get3A = arith.constant 0 : index
    %get3A_0 = vector.load %arg1[%get3A] : memref<16384xf32, #tpu.memory_space<vmem>>, vector<16384xf32>
    %get3A_1 = arith.constant 0 : index
    %get3A_2 = vector.load %arg2[%get3A_1] : memref<16384xf32, #tpu.memory_space<vmem>>, vector<16384xf32>
    %get3A_3 = arith.constant 0 : index
    %get3A_4 = vector.load %arg3[%get3A_3] : memref<16384xf32, #tpu.memory_space<vmem>>, vector<16384xf32>
    %get3A_5 = arith.constant 0 : index
    %get3A_6 = vector.load %arg4[%get3A_5] : memref<16384xf32, #tpu.memory_space<vmem>>, vector<16384xf32>
    %get3A_7 = arith.constant 0 : index
    %get3A_8 = vector.load %arg5[%get3A_7] : memref<16384xf32, #tpu.memory_space<vmem>>, vector<16384xf32>
    %get3A_9 = arith.constant 0 : index
    %get3A_10 = vector.load %arg6[%get3A_9] : memref<16384xi32, #tpu.memory_space<vmem>>, vector<16384xi32>
    %max3A = arith.maximumf %get3A_0, %get3A_2 : vector<16384xf32>
    %max3A_11 = arith.maximumf %max3A, %get3A_4 : vector<16384xf32>
    %max3A_12 = arith.maximumf %max3A_11, %get3A_6 : vector<16384xf32>
    %max3A_13 = arith.maximumf %max3A_12, %get3A_8 : vector<16384xf32>
    %broadcast_in_dim3A = arith.constant 0.000000e+00 : f32
    %broadcast_in_dim3A_14 = vector.broadcast %broadcast_in_dim3A : f32 to vector<16384xf32>
    %broadcast_in_dim3A_15 = arith.constant 0.000000e+00 : f32
    %broadcast_in_dim3A_16 = vector.broadcast %broadcast_in_dim3A_15 : f32 to vector<16384xf32>
    %sub3A = arith.subf %get3A_0, %max3A_13 : vector<16384xf32>
    %exp3A = math.exp %sub3A : vector<16384xf32>
    %add3A = arith.addf %broadcast_in_dim3A_14, %exp3A : vector<16384xf32>
    %eq3A = arith.constant 0 : i32
    %eq3A_17 = vector.broadcast %eq3A : i32 to vector<16384xi32>
    %eq3A_18 = arith.cmpi eq, %get3A_10, %eq3A_17 : vector<16384xi32>
    %jit3A = arith.constant 0.000000e+00 : f32
    %broadcast_in_dim3A_19 = vector.broadcast %jit3A : f32 to vector<16384xf32>
    %select_n3A = arith.select %eq3A_18, %get3A_0, %broadcast_in_dim3A_19 : vector<16384xi1>, vector<16384xf32>
    %add3A_20 = arith.addf %broadcast_in_dim3A_16, %select_n3A : vector<16384xf32>
    %sub3A_21 = arith.subf %get3A_2, %max3A_13 : vector<16384xf32>
    %exp3A_22 = math.exp %sub3A_21 : vector<16384xf32>
    %add3A_23 = arith.addf %add3A, %exp3A_22 : vector<16384xf32>
    %eq3A_24 = arith.constant 1 : i32
    %eq3A_25 = vector.broadcast %eq3A_24 : i32 to vector<16384xi32>
    %eq3A_26 = arith.cmpi eq, %get3A_10, %eq3A_25 : vector<16384xi32>
    %jit3A_27 = arith.constant 0.000000e+00 : f32
    %broadcast_in_dim3A_28 = vector.broadcast %jit3A_27 : f32 to vector<16384xf32>
    %select_n3A_29 = arith.select %eq3A_26, %get3A_2, %broadcast_in_dim3A_28 : vector<16384xi1>, vector<16384xf32>
    %add3A_30 = arith.addf %add3A_20, %select_n3A_29 : vector<16384xf32>
    %sub3A_31 = arith.subf %get3A_4, %max3A_13 : vector<16384xf32>
    %exp3A_32 = math.exp %sub3A_31 : vector<16384xf32>
    %add3A_33 = arith.addf %add3A_23, %exp3A_32 : vector<16384xf32>
    %eq3A_34 = arith.constant 2 : i32
    %eq3A_35 = vector.broadcast %eq3A_34 : i32 to vector<16384xi32>
    %eq3A_36 = arith.cmpi eq, %get3A_10, %eq3A_35 : vector<16384xi32>
    %jit3A_37 = arith.constant 0.000000e+00 : f32
    %broadcast_in_dim3A_38 = vector.broadcast %jit3A_37 : f32 to vector<16384xf32>
    %select_n3A_39 = arith.select %eq3A_36, %get3A_4, %broadcast_in_dim3A_38 : vector<16384xi1>, vector<16384xf32>
    %add3A_40 = arith.addf %add3A_30, %select_n3A_39 : vector<16384xf32>
    %sub3A_41 = arith.subf %get3A_6, %max3A_13 : vector<16384xf32>
    %exp3A_42 = math.exp %sub3A_41 : vector<16384xf32>
    %add3A_43 = arith.addf %add3A_33, %exp3A_42 : vector<16384xf32>
    %eq3A_44 = arith.constant 3 : i32
    %eq3A_45 = vector.broadcast %eq3A_44 : i32 to vector<16384xi32>
    %eq3A_46 = arith.cmpi eq, %get3A_10, %eq3A_45 : vector<16384xi32>
    %jit3A_47 = arith.constant 0.000000e+00 : f32
    %broadcast_in_dim3A_48 = vector.broadcast %jit3A_47 : f32 to vector<16384xf32>
    %select_n3A_49 = arith.select %eq3A_46, %get3A_6, %broadcast_in_dim3A_48 : vector<16384xi1>, vector<16384xf32>
    %add3A_50 = arith.addf %add3A_40, %select_n3A_49 : vector<16384xf32>
    %sub3A_51 = arith.subf %get3A_8, %max3A_13 : vector<16384xf32>
    %exp3A_52 = math.exp %sub3A_51 : vector<16384xf32>
    %add3A_53 = arith.addf %add3A_43, %exp3A_52 : vector<16384xf32>
    %eq3A_54 = arith.constant 4 : i32
    %eq3A_55 = vector.broadcast %eq3A_54 : i32 to vector<16384xi32>
    %eq3A_56 = arith.cmpi eq, %get3A_10, %eq3A_55 : vector<16384xi32>
    %jit3A_57 = arith.constant 0.000000e+00 : f32
    %broadcast_in_dim3A_58 = vector.broadcast %jit3A_57 : f32 to vector<16384xf32>
    %select_n3A_59 = arith.select %eq3A_56, %get3A_8, %broadcast_in_dim3A_58 : vector<16384xi1>, vector<16384xf32>
    %add3A_60 = arith.addf %add3A_50, %select_n3A_59 : vector<16384xf32>
    %log3A = math.log %add3A_53 : vector<16384xf32>
    %add3A_61 = arith.addf %max3A_13, %log3A : vector<16384xf32>
    %sub3A_62 = arith.subf %add3A_61, %add3A_60 : vector<16384xf32>
    %swap3A = arith.constant 0 : index
    %swap3A_63 = vector.load %arg7[%swap3A] : memref<16384xf32, #tpu.memory_space<vmem>>, vector<16384xf32>
    tpu.vector_store %arg7[%swap3A], %sub3A_62 {strides = array<i32>} : memref<16384xf32, #tpu.memory_space<vmem>>, vector<16384xf32>,
    return
  }
  func.func @transform_0(%arg0: i32) -> i32 {
    %c0_i32 = arith.constant 0 : i32
    return %arg0 : i32
  }
  func.func @transform_1(%arg0: i32) -> i32 {
    %c0_i32 = arith.constant 0 : i32
    return %arg0 : i32
  }
  func.func @transform_2(%arg0: i32) -> i32 {
    %c0_i32 = arith.constant 0 : i32
    return %arg0 : i32
  }
  func.func @transform_3(%arg0: i32) -> i32 {
    %c0_i32 = arith.constant 0 : i32
    return %arg0 : i32
  }
  func.func @transform_4(%arg0: i32) -> i32 {
    %c0_i32 = arith.constant 0 : i32
    return %arg0 : i32
  }
  func.func @transform_5(%arg0: i32) -> i32 {
    %c0_i32 = arith.constant 0 : i32
    return %arg0 : i32
  }
  func.func @transform_6(%arg0: i32) -> i32 {
    %c0_i32 = arith.constant 0 : i32
    return %arg0 : i32
  }
}

module attributes {stable_mosaic.version = 14 : i64} {
  func.func @_node_body(%arg0: i32, %arg1: memref<3x2048xf32, #tpu.memory_space<vmem>>, %arg2: memref<3x2048xf32, #tpu.memory_space<vmem>>, %arg3: memref<16x2048xf32, #tpu.memory_space<vmem>>, %arg4: memref<2048xi32, #tpu.memory_space<vmem>>, %arg5: memref<6x2048xf32, #tpu.memory_space<vmem>>, %arg6: memref<2048xi32, #tpu.memory_space<vmem>>, %arg7: memref<2048xf32, #tpu.memory_space<vmem>>, %arg8: memref<2048xf32, #tpu.memory_space<vmem>>, %arg9: memref<2048xf32, #tpu.memory_space<vmem>>, %arg10: memref<2048xf32, #tpu.memory_space<vmem>>) attributes {dimension_semantics = [#tpu.dimension_semantics<arbitrary>], iteration_bounds = array<i64: 50>, scalar_prefetch = 0 : i64, scratch_operands = 0 : i64, tpu.core_type = #tpu.core_type<tc>, window_params = [{transform_indices = @transform_0, window_bounds = array<i64: 3, 2048>}, {transform_indices = @transform_1, window_bounds = array<i64: 3, 2048>}, {transform_indices = @transform_2, window_bounds = array<i64: 16, 2048>}, {transform_indices = @transform_3, window_bounds = array<i64: 2048>}, {transform_indices = @transform_4, window_bounds = array<i64: 6, 2048>}, {transform_indices = @transform_5, window_bounds = array<i64: 2048>}, {transform_indices = @transform_6, window_bounds = array<i64: 2048>}, {transform_indices = @transform_7, window_bounds = array<i64: 2048>}, {transform_indices = @transform_8, window_bounds = array<i64: 2048>}, {transform_indices = @transform_9, window_bounds = array<i64: 2048>}]} {
    %get3A = arith.constant 0 : index
    %get3A_0 = vector.load %arg7[%get3A] : memref<2048xf32, #tpu.memory_space<vmem>>, vector<2048xf32>
    %get3A_1 = arith.constant 0 : index
    %get3A_2 = arith.constant 0 : index
    %get3A_3 = vector.load %arg1[%get3A_1, %get3A_2] : memref<3x2048xf32, #tpu.memory_space<vmem>>, vector<3x2048xf32>
    %get3A_4 = arith.constant 0 : index
    %get3A_5 = arith.constant 0 : index
    %get3A_6 = vector.load %arg2[%get3A_4, %get3A_5] : memref<3x2048xf32, #tpu.memory_space<vmem>>, vector<3x2048xf32>
    %sub3A = arith.subf %get3A_3, %get3A_6 : vector<3x2048xf32>
    %mul3A = arith.mulf %sub3A, %sub3A : vector<3x2048xf32>
    %reduce_sum3A = arith.constant dense<0.000000e+00> : vector<2048xf32>
    %reduce_sum3A_7 = vector.multi_reduction <add>, %mul3A, %reduce_sum3A [0] : vector<3x2048xf32> to vector<2048xf32>
    %mul3A_8 = arith.constant 0.333333343 : f32
    %mul3A_9 = vector.broadcast %mul3A_8 : f32 to vector<2048xf32>
    %mul3A_10 = arith.mulf %reduce_sum3A_7, %mul3A_9 : vector<2048xf32>
    %mul3A_11 = arith.mulf %mul3A_10, %get3A_0 : vector<2048xf32>
    %swap3A = arith.constant 0 : index
    %swap3A_12 = vector.load %arg8[%swap3A] : memref<2048xf32, #tpu.memory_space<vmem>>, vector<2048xf32>
    tpu.vector_store %arg8[%swap3A], %mul3A_11 {strides = array<i32>} : memref<2048xf32, #tpu.memory_space<vmem>>, vector<2048xf32>,
    %get3A_13 = arith.constant 0 : index
    %get3A_14 = arith.constant 0 : index
    %get3A_15 = vector.load %arg3[%get3A_13, %get3A_14] : memref<16x2048xf32, #tpu.memory_space<vmem>>, vector<16x2048xf32>
    %get3A_16 = arith.constant 0 : index
    %get3A_17 = vector.load %arg4[%get3A_16] : memref<2048xi32, #tpu.memory_space<vmem>>, vector<2048xi32>
    %reduce_max3A = arith.constant dense<0xFF800000> : vector<2048xf32>
    %reduce_max3A_18 = vector.multi_reduction <maximumf>, %get3A_15, %reduce_max3A [0] : vector<16x2048xf32> to vector<2048xf32>
    %broadcast_in_dim3A = vector.shape_cast %reduce_max3A_18 : vector<2048xf32> to vector<1x2048xf32>
    %sub3A_19 = vector.broadcast %broadcast_in_dim3A : vector<1x2048xf32> to vector<16x2048xf32>
    %sub3A_20 = arith.subf %get3A_15, %sub3A_19 : vector<16x2048xf32>
    %exp3A = math.exp %sub3A_20 : vector<16x2048xf32>
    %reduce_sum3A_21 = arith.constant dense<0.000000e+00> : vector<2048xf32>
    %reduce_sum3A_22 = vector.multi_reduction <add>, %exp3A, %reduce_sum3A_21 [0] : vector<16x2048xf32> to vector<2048xf32>
    %broadcast_in_dim3A_23 = vector.shape_cast %reduce_sum3A_22 : vector<2048xf32> to vector<1x2048xf32>
    %log3A = math.log %broadcast_in_dim3A_23 : vector<1x2048xf32>
    %add3A = arith.addf %broadcast_in_dim3A, %log3A : vector<1x2048xf32>
    %iota3A = tpu.iota {dimensions = array<i32: 0>} : vector<16x2048xi32>
    %reshape3A = vector.shape_cast %get3A_17 : vector<2048xi32> to vector<1x2048xi32>
    %eq3A = vector.broadcast %reshape3A : vector<1x2048xi32> to vector<16x2048xi32>
    %eq3A_24 = arith.cmpi eq, %iota3A, %eq3A : vector<16x2048xi32>
    %jit3A = arith.constant 0.000000e+00 : f32
    %broadcast_in_dim3A_25 = vector.broadcast %jit3A : f32 to vector<16x2048xf32>
    %select_n3A = arith.select %eq3A_24, %get3A_15, %broadcast_in_dim3A_25 : vector<16x2048xi1>, vector<16x2048xf32>
    %reduce_sum3A_26 = arith.constant dense<0.000000e+00> : vector<2048xf32>
    %reduce_sum3A_27 = vector.multi_reduction <add>, %select_n3A, %reduce_sum3A_26 [0] : vector<16x2048xf32> to vector<2048xf32>
    %broadcast_in_dim3A_28 = vector.shape_cast %reduce_sum3A_27 : vector<2048xf32> to vector<1x2048xf32>
    %sub3A_29 = arith.subf %add3A, %broadcast_in_dim3A_28 : vector<1x2048xf32>
    %squeeze3A = vector.shape_cast %sub3A_29 : vector<1x2048xf32> to vector<2048xf32>
    %mul3A_30 = arith.mulf %squeeze3A, %get3A_0 : vector<2048xf32>
    %swap3A_31 = arith.constant 0 : index
    %swap3A_32 = vector.load %arg9[%swap3A_31] : memref<2048xf32, #tpu.memory_space<vmem>>, vector<2048xf32>
    tpu.vector_store %arg9[%swap3A_31], %mul3A_30 {strides = array<i32>} : memref<2048xf32, #tpu.memory_space<vmem>>, vector<2048xf32>,
    %get3A_33 = arith.constant 0 : index
    %get3A_34 = arith.constant 0 : index
    %get3A_35 = vector.load %arg5[%get3A_33, %get3A_34] : memref<6x2048xf32, #tpu.memory_space<vmem>>, vector<6x2048xf32>
    %get3A_36 = arith.constant 0 : index
    %get3A_37 = vector.load %arg6[%get3A_36] : memref<2048xi32, #tpu.memory_space<vmem>>, vector<2048xi32>
    %reduce_max3A_38 = arith.constant dense<0xFF800000> : vector<2048xf32>
    %reduce_max3A_39 = vector.multi_reduction <maximumf>, %get3A_35, %reduce_max3A_38 [0] : vector<6x2048xf32> to vector<2048xf32>
    %broadcast_in_dim3A_40 = vector.shape_cast %reduce_max3A_39 : vector<2048xf32> to vector<1x2048xf32>
    %sub3A_41 = vector.broadcast %broadcast_in_dim3A_40 : vector<1x2048xf32> to vector<6x2048xf32>
    %sub3A_42 = arith.subf %get3A_35, %sub3A_41 : vector<6x2048xf32>
    %exp3A_43 = math.exp %sub3A_42 : vector<6x2048xf32>
    %reduce_sum3A_44 = arith.constant dense<0.000000e+00> : vector<2048xf32>
    %reduce_sum3A_45 = vector.multi_reduction <add>, %exp3A_43, %reduce_sum3A_44 [0] : vector<6x2048xf32> to vector<2048xf32>
    %broadcast_in_dim3A_46 = vector.shape_cast %reduce_sum3A_45 : vector<2048xf32> to vector<1x2048xf32>
    %log3A_47 = math.log %broadcast_in_dim3A_46 : vector<1x2048xf32>
    %add3A_48 = arith.addf %broadcast_in_dim3A_40, %log3A_47 : vector<1x2048xf32>
    %iota3A_49 = tpu.iota {dimensions = array<i32: 0>} : vector<6x2048xi32>
    %reshape3A_50 = vector.shape_cast %get3A_37 : vector<2048xi32> to vector<1x2048xi32>
    %eq3A_51 = vector.broadcast %reshape3A_50 : vector<1x2048xi32> to vector<6x2048xi32>
    %eq3A_52 = arith.cmpi eq, %iota3A_49, %eq3A_51 : vector<6x2048xi32>
    %jit3A_53 = arith.constant 0.000000e+00 : f32
    %broadcast_in_dim3A_54 = vector.broadcast %jit3A_53 : f32 to vector<6x2048xf32>
    %select_n3A_55 = arith.select %eq3A_52, %get3A_35, %broadcast_in_dim3A_54 : vector<6x2048xi1>, vector<6x2048xf32>
    %reduce_sum3A_56 = arith.constant dense<0.000000e+00> : vector<2048xf32>
    %reduce_sum3A_57 = vector.multi_reduction <add>, %select_n3A_55, %reduce_sum3A_56 [0] : vector<6x2048xf32> to vector<2048xf32>
    %broadcast_in_dim3A_58 = vector.shape_cast %reduce_sum3A_57 : vector<2048xf32> to vector<1x2048xf32>
    %sub3A_59 = arith.subf %add3A_48, %broadcast_in_dim3A_58 : vector<1x2048xf32>
    %squeeze3A_60 = vector.shape_cast %sub3A_59 : vector<1x2048xf32> to vector<2048xf32>
    %mul3A_61 = arith.mulf %squeeze3A_60, %get3A_0 : vector<2048xf32>
    %swap3A_62 = arith.constant 0 : index
    %swap3A_63 = vector.load %arg10[%swap3A_62] : memref<2048xf32, #tpu.memory_space<vmem>>, vector<2048xf32>
    tpu.vector_store %arg10[%swap3A_62], %mul3A_61 {strides = array<i32>} : memref<2048xf32, #tpu.memory_space<vmem>>, vector<2048xf32>,
    return
  }
  func.func @transform_0(%arg0: i32) -> (i32, i32) {
    %c0_i32 = arith.constant 0 : i32
    %c0_i32_0 = arith.constant 0 : i32
    return %c0_i32, %arg0 : i32, i32
  }
  func.func @transform_1(%arg0: i32) -> (i32, i32) {
    %c0_i32 = arith.constant 0 : i32
    %c0_i32_0 = arith.constant 0 : i32
    return %c0_i32, %arg0 : i32, i32
  }
  func.func @transform_2(%arg0: i32) -> (i32, i32) {
    %c0_i32 = arith.constant 0 : i32
    %c0_i32_0 = arith.constant 0 : i32
    return %c0_i32, %arg0 : i32, i32
  }
  func.func @transform_3(%arg0: i32) -> i32 {
    %c0_i32 = arith.constant 0 : i32
    return %arg0 : i32
  }
  func.func @transform_4(%arg0: i32) -> (i32, i32) {
    %c0_i32 = arith.constant 0 : i32
    %c0_i32_0 = arith.constant 0 : i32
    return %c0_i32, %arg0 : i32, i32
  }
  func.func @transform_5(%arg0: i32) -> i32 {
    %c0_i32 = arith.constant 0 : i32
    return %arg0 : i32
  }
  func.func @transform_6(%arg0: i32) -> i32 {
    %c0_i32 = arith.constant 0 : i32
    return %arg0 : i32
  }
  func.func @transform_7(%arg0: i32) -> i32 {
    %c0_i32 = arith.constant 0 : i32
    return %arg0 : i32
  }
  func.func @transform_8(%arg0: i32) -> i32 {
    %c0_i32 = arith.constant 0 : i32
    return %arg0 : i32
  }
  func.func @transform_9(%arg0: i32) -> i32 {
    %c0_i32 = arith.constant 0 : i32
    return %arg0 : i32
  }
}

</mosaic_0001>

<sc_bundles>
// kernel: kernel.5.cloned.1.call-start
scs
__scs_entry_jumppad:
0x0: {  	(pc) =	sbr.rel $0x88, $3  }
0x1: {  	(tag) =	ssettag $0x0;
	lr =	simm.s32 $0x1  }
0x2: {  	[smem:$0x3F95] =	sst lr;
	_ =	strace $0xD0000000  }
0x3: {  	_ = 	snop  }
0x4: {  	_ = 	snop  }
0x5: {  	_ = 	snop  }
0x6: {  	_ = 	snop  }
0x7: {  	_ = 	snop  }
__scs_overlays_trampoline_lowered:
0x8: {  	[smem:$0x3FA4] =	sst s0  }
0x9: {  	[smem:$0x3FA5] =	sst s1  }
0xa: {  	[smem:$0x3FA6] =	sst s2  }
0xb: {  	[smem:$0x3FA7] =	sst s3  }
0xc: {  	[smem:$0x3FA8] =	sst s4  }
0xd: {  	[smem:$0x3FA9] =	sst s5  }
0xe: {  	[smem:$0x3FAA] =	sst s6  }
0xf: {  	[smem:$0x3FAB] =	sst s7  }
0x10: {  	[smem:$0x3FAC] =	sst s8  }
0x11: {  	[smem:$0x3FAD] =	sst s9;
	s0 =	simm.s32 @!p0 $0x0  }
0x12: {  	s1 =	sld [smem:$0x3F93];
	s0 =	simm.s32 @p0 $0x1  }
0x13: {  	[smem:$0x3FAE] =	sst s0;
	s0 =	simm.s32 @!p1 $0x0  }
0x14: {  	s2 =	sld [smem:$0x3F92];
	s0 =	simm.s32 @p1 $0x1  }
0x15: {  	[smem:$0x3FAF] =	sst s0;
	s0 =	simm.s32 @!p2 $0x0  }
0x16: {  	s3 =	sld [smem:$0x3FDB];
	s0 =	simm.s32 @p2 $0x1  }
0x17: {  	s4 =	simm.s32 $0x1BF5;
	[smem:$0x3FB1] =	sst s0  }
0x18: {  	s0 =	sld [smem:$0x3F94];
	_ =	swait.ge [sflag:s4], $0x0  }
0x19: {  	s7 =	sld [smem:$0x3F95]  }
0x1a: {  	s8 =	sadd.s32 $0xFFFFE003, lr  }
0x1b: {  	s9 =	sadd.s32 $0xFFFFFEF7, lr;
	s5 =	simm.s32 $0xFFFFFFFF;
	p2 =	slt.u32 s8, $0xFFFFF086  }
0x1c: {  	p1 =	slt.u32 s9, $0xF7A;
	s5 =	simm.s32 @!p2 $0x0  }
0x1d: {  	s5 =	simm.s32 @p1 $0x1;
	p0 =	seq.s32 s7, s2  }
0x1e: {  	s7 =	smul.u32 @!p0 $0xF7A, s2;
	p2 =	seq.s32 @!p0 s5, $0x0  }
0x1f: {  	s9 =	smul.u32 $0xF7A, s1;
	s8 =	simm.s32 @!p0 $0x1BF5;
	p2 =	por !p2, p0  }
0x20: {  	[sflag:s8] =	ssyncset.s32 @!p0 $0xFFFFF086;
	s6 =	sadd.s32 @!p0 s3, s7;
	s7 =	simm.s32 @!p0 $0x108  }
0x21: {  	s3 =	sadd.s32 s3, s9;
	s6 =	sadd.s32 @!p0 $0x88, s6;
	s7 =	simm.s32 @p2 $0x1082  }
0x22: {  	[simem:s7], [sflag:s8] =	dma.local @!p0 [hbm:s6], $0xF7A  }
0x23: {  	s9 =	sor.u32 $0xD0000000, s2;
	s6 =	simm.s32 $0x108;
	_ =	swait.ge @!p0 [sflag:s8], $0x0  }
0x24: {  	s3 =	sadd.s32 $0x88, s3;
	s6 =	simm.s32 @!p1 $0x1082;
	[sflag:s4] =	ssyncset.s32 $0xFFFFF086  }
0x25: {  	[simem:s6], [sflag:s4] =	dma.local [hbm:s3], $0xF7A  }
0x26: {  	[smem:$0x3F95] =	sst s1;
	(tag) =	ssettag s2;
	_ =	strace s9  }
0x27: {  	s1 =	sld [smem:$0x3FA5]  }
0x28: {  	s2 =	sld [smem:$0x3FA6]  }
0x29: {  	s4 =	sld [smem:$0x3FA8]  }
0x2a: {  	p0 =	seq.s32 s5, $0x0;
	s5 =	sld [smem:$0x3FA9]  }
0x2b: {  	s6 =	sld [smem:$0x3FAA]  }
0x2c: {  	s7 =	sld [smem:$0x3FAB]  }
0x2d: {  	s3 =	simm.s32 $0x108;
	s8 =	sld [smem:$0x3FAC]  }
0x2e: {  	s3 =	simm.s32 @!p0 $0x1082;
	s9 =	sld [smem:$0x3FAD]  }
0x2f: {  	lr =	sadd.s32 s0, s3;
	s0 =	sld [smem:$0x3FA4]  }
0x30: {  	s3 =	sld [smem:$0x3FA7]  }
0x31: {  	[smem:$0x3FB0] =	sst s10  }
0x32: {  	s10 =	sld [smem:$0x3FAE];
	_ =	sdelay $0x3  }
0x33: {  	p0 =	seq.s32 s10, $0x1;
	s10 =	sld [smem:$0x3FB0];
	_ =	sdelay $0x3  }
0x34: {  	[smem:$0x3FB0] =	sst s10  }
0x35: {  	s10 =	sld [smem:$0x3FAF];
	_ =	sdelay $0x3  }
0x36: {  	p1 =	seq.s32 s10, $0x1;
	s10 =	sld [smem:$0x3FB0];
	_ =	sdelay $0x3  }
0x37: {  	[smem:$0x3FB0] =	sst s10  }
0x38: {  	s10 =	sld [smem:$0x3FB1]  }
0x39: {  	_ = 	snop;
	(pc) =	sbr.ind lr, $3  }
0x3a: {  	_ = 	snop  }
0x3b: {  	_ = 	snop  }
0x3c: {  	p2 =	seq.s32 s10, $0x1;
	s10 =	sld [smem:$0x3FB0]  }
0x3d: {  	_ =	shalt  }
0x3e: {  	_ =	shalt  }
0x3f: {  	_ =	shalt  }
0x40: {  	_ =	shalt  }
0x41: {  	_ =	shalt  }
0x42: {  	_ =	shalt  }
0x43: {  	_ =	shalt  }
0x44: {  	_ =	shalt  }
0x45: {  	_ =	shalt  }
0x46: {  	_ =	shalt  }
0x47: {  	_ =	shalt  }
0x48: {  	_ =	shalt  }
0x49: {  	_ =	shalt  }
0x4a: {  	_ =	shalt  }
0x4b: {  	_ =	shalt  }
0x4c: {  	_ =	shalt  }
0x4d: {  	_ =	shalt  }
0x4e: {  	_ =	shalt  }
0x4f: {  	_ =	shalt  }
0x50: {  	_ =	shalt  }
0x51: {  	_ =	shalt  }
0x52: {  	_ =	shalt  }
0x53: {  	_ =	shalt  }
0x54: {  	_ =	shalt  }
0x55: {  	_ =	shalt  }
0x56: {  	_ =	shalt  }
0x57: {  	_ =	shalt  }
0x58: {  	_ =	shalt  }
0x59: {  	_ =	shalt  }
0x5a: {  	_ =	shalt  }
0x5b: {  	_ =	shalt  }
0x5c: {  	_ =	shalt  }
0x5d: {  	_ =	shalt  }
0x5e: {  	_ =	shalt  }
0x5f: {  	_ =	shalt  }
0x60: {  	_ =	shalt  }
0x61: {  	_ =	shalt  }
0x62: {  	_ =	shalt  }
0x63: {  	_ =	shalt  }
0x64: {  	_ =	shalt  }
0x65: {  	_ =	shalt  }
0x66: {  	_ =	shalt  }
0x67: {  	_ =	shalt  }
0x68: {  	_ =	shalt  }
0x69: {  	_ =	shalt  }
0x6a: {  	_ =	shalt  }
0x6b: {  	_ =	shalt  }
0x6c: {  	_ =	shalt  }
0x6d: {  	_ =	shalt  }
0x6e: {  	_ =	shalt  }
0x6f: {  	_ =	shalt  }
0x70: {  	_ =	shalt  }
0x71: {  	_ =	shalt  }
0x72: {  	_ =	shalt  }
0x73: {  	_ =	shalt  }
0x74: {  	_ =	shalt  }
0x75: {  	_ =	shalt  }
0x76: {  	_ =	shalt  }
0x77: {  	_ =	shalt  }
0x78: {  	_ =	shalt  }
0x79: {  	_ =	shalt  }
0x7a: {  	_ =	shalt  }
0x7b: {  	_ =	shalt  }
0x7c: {  	_ =	shalt  }
0x7d: {  	_ =	shalt  }
0x7e: {  	_ =	shalt  }
0x7f: {  	_ =	shalt  }
0x80: {  	_ =	shalt  }
0x81: {  	_ =	shalt  }
0x82: {  	_ =	shalt  }
0x83: {  	_ =	shalt  }
0x84: {  	_ =	shalt  }
0x85: {  	_ =	shalt  }
0x86: {  	_ =	shalt  }
0x87: {  	_ =	shalt  }
.Lfunc_end0:
.L_simem_size_0:
called_computation_lowered:
.L_overlay_start_0:
0x88: {  	s2 =	sld [smem:$0x3FD9]  }
0x89: {  	s3 =	sld [smem:$0x3FFE];
	_ =	sdelay $0x1  }
0x8a: {  	s1 =	srdreg.scid  }
0x8b: {  	s0 =	sand.u32 $0x1, s1  }
0x8c: {  	s17 =	sshll.u32 s0, $0xA;
	s2 =	sadd.s32 s3, s2  }
0x8d: {  	s2 =	sadd.s32 s2, s17  }
0x8e: {  	[smem:$0x3FBC] =	sst s2  }
0x8f: {  	_ = 	snop  }
0x90: {  	s2 =	sld [smem:$0x3FC0]  }
0x91: {  	s18 =	sld [smem:$0x3FBE]  }
0x92: {  	s4 =	sld [smem:$0x3FD0];
	(tm) =	ssettm $0x1  }
0x93: {  	s5 =	sld [smem:$0x3FFB];
	_ =	sdelay $0x3  }
0x94: {  	_ =	strace s5  }
0x95: {  	s5 =	sld [smem:$0x3FFC];
	_ =	sdelay $0x3  }
0x96: {  	_ =	strace s5  }
0x97: {  	s5 =	sld [smem:$0x3FFD];
	_ =	sdelay $0x3  }
0x98: {  	_ =	strace s5  }
0x99: {  	_ =	strace $0x8FFFFFFF  }
0x9a: {  	s19 =	sld [smem:$0x3FDB];
	_ =	sdelay $0x1  }
0x9b: {  	s6 =	simm.s32 $_scs_section_size  }
0x9c: {  	s7 =	simm.s32 $_size__tile_overlayer_lowered;
	s8 =	simm.s32 $_tile_overlayer_lowered  }
0x9d: {  	s22 =	simm.s32 $0x1BFF;
	s21 =	sshll.u32 s8, $0x1;
	s5 =	sadd.s32 s6, s19  }
0x9e: {  	s9 =	simm.s32 $0x0;
	s20 =	sshll.u32 s7, $0x1;
	s7 =	sadd.s32 s21, s5  }
0x9f: {  	[timem:s9], [sflag:s22] =	dma.local [hbm:s7], s20  }
0xa0: {  	_ =	swait.ge [sflag:s22], s20  }
0xa1: {  	s6 =	ssub.s32 $0x0, s20;
	[sflag:s22] =	ssyncset.done $0x0  }
0xa2: {  	[sflag:s22] =	ssyncadd.s32 s6;
	_ =	sdelay $0x1  }
0xa3: {  	s23 =	simm.s32 $0x1B8B  }
0xa4: {  	_ =	swait.ge [sflag:s23], $0x1  }
0xa5: {  	[sflag:s23] =	ssyncset.done $0x0  }
0xa6: {  	s25 =	simm.s32 $0x1B8E;
	s24 =	sld [smem:$0x3FFE];
	[sflag:s23] =	ssyncadd.s32 $0xFFFFFFFF  }
0xa7: {  	s26 =	simm.s32 $execute0_lowered;
	[smem:$0x3FD2] =	sst s25  }
0xa8: {  	s7 =	sshll.u32 s26, $0x1;
	_ =	strace $0x80000046;
	[dreg:$0x1] =	wrdreg $0xFFFFFFFF  }
0xa9: {  	s28 =	simm.s32 $_size_execute0_lowered;
	s5 =	sadd.s32 s5, s7;
	[dreg:$0x0] =	wrdreg $0x0  }
0xaa: {  	s7 =	sshll.u32 s28, $0x1;
	[dreg:$0x2] =	wrdreg s5  }
0xab: {  	[dreg:$0x3] =	wrdreg s7  }
0xac: {  	[dreg:$0x4] =	wrdreg $0xC0  }
0xad: {  	_ =	task [dreg:s9], $0x5FFFF  }
0xae: {  	[dreg:$0x1] =	wrdreg $0xFFFFFFFF  }
0xaf: {  	[dreg:$0x0] =	wrdreg $0x60  }
0xb0: {  	[dreg:$0x2] =	wrdreg s24  }
0xb1: {  	[dreg:$0x3] =	wrdreg s2  }
0xb2: {  	[dreg:$0x4] =	wrdreg s18  }
0xb3: {  	[dreg:$0x5] =	wrdreg s4  }
0xb4: {  	[dreg:$0x6] =	wrdreg $0x0  }
0xb5: {  	[dreg:$0x7] =	wrdreg $0x19000  }
0xb6: {  	[dreg:$0x8] =	wrdreg $0x32000  }
0xb7: {  	[dreg:$0x9] =	wrdreg $0x32800  }
0xb8: {  	[dreg:$0xa] =	wrdreg $0x33000  }
0xb9: {  	[dreg:$0xb] =	wrdreg $0x33800  }
0xba: {  	[dreg:$0xc] =	wrdreg $0x9  }
0xbb: {  	_ =	task.clear_ibuf [dreg:s9], $0xDFFFF;
	_ =	strace $0x90000046  }
0xbc: {  	s29 =	simm.s32 $0x9;
	_ =	strace $0x80000048  }
0xbd: {  	_ =	swait.ge [sflag:s29], $0x1  }
0xbe: {  	[sflag:s29] =	ssyncadd.s32 $0xFFFFFFFF  }
0xbf: {  	_ =	strace $0x90000048  }
0xc0: {  	_ =	sfence  }
0xc1: {  	s30 =	sld [smem:$0x0];
	_ =	sdelay $0x2  }
0xc2: {  	s31 =	sshll.u32 s1, $0xD;
	s1 =	sshrl.u32 s1, $0x2  }
0xc3: {  	s3 =	sand.u32 $0x4000, s31;
	s1 =	sadd.s32 s1, s30  }
0xc4: {  	s0 =	sor.u32 s3, s0;
	s1 =	sshll.u32 s1, $0x11  }
0xc5: {  	s0 =	sor.u32 s1, s0  }
0xc6: {  	s0 =	sadd.s32 $0x8F2B, s0  }
0xc7: {  	[sflag:s0] =	ssyncadd.remote.s32 $0x1  }
0xc8: {  	_ =	sfence.sel $0xFFFF  }
0xc9: {  	[dreg:$0x0] =	wrdreg $0xFFFFFFFF;
	(pc) =	sbr.abs _section_cstart, $3  }
0xca: {  	[dreg:$0x1] =	wrdreg $0xFFFFFFFF  }
0xcb: {  	_ =	task.clear_ibuf [dreg:s9], $0x2FFFF;
	_ =	strace $0x9FFFFFFF  }
0xcc: {  	(tm) =	ssettm $0x7FFFFFFF  }
0xcd: {  	_ =	shalt  }
tec
execute0_lowered:
.L_overlay_start_1:
0x0: {  	(tag) =	ssettag $0x1  }
0x1: {  	s0 =	rddreg [dreg:$0x0]  }
0x2: {  	s1 =	rddreg [dreg:$0x1]  }
0x3: {  	s4 =	stileid.u32;
	s5 =	srdreg.scid  }
0x4: {  	s2 =	rddreg [dreg:$0x4];
	s5 =	sand.u32 $0x1, s5;
	s6 =	smul.u32 $0x186A0, s4  }
0x5: {  	s3 =	simm.s32 $0x0;
	s28 =	rddreg [dreg:$0x8];
	s7 =	ssub.s32 $0x2, s5  }
0x6: {  	s30 =	rddreg [dreg:$0x9];
	s9 =	sshrl.u32 s7, $0x1;
	s6 =	sshrl.u32 s6, $0x3  }
0x7: {  	[smem:$0x7FF] =	sst s3;
	s11 =	ssub.s32 s7, s9;
	s9 =	sadd.s32 $0x4E2, s6  }
0x8: {  	s8 =	sadd.s32 $0x6E00, s0;
	s31 =	sadd.s32 $0x3E200, s0;
	s10 =	sadd.s32 s1, s9  }
0x9: {  	s12 =	sadd.s32 $0x9C4, s6;
	s7 =	sadd.s32 s8, s9;
	[dreg:$0xb] =	wrdreg s10  }
0xa: {  	p4 =	seq.s32 s4, $0x0;
	s13 =	sadd.s32 s1, s12;
	[dreg:$0xc] =	wrdreg s7  }
0xb: {  	s15 =	sadd.s32 $0xEA6, s6;
	s14 =	sadd.s32 s8, s12;
	[dreg:$0xd] =	wrdreg s13  }
0xc: {  	s16 =	sadd.s32 $0x1388, s6;
	s17 =	sadd.s32 s1, s15;
	[dreg:$0xe] =	wrdreg s14  }
0xd: {  	p3 =	sne.s32 s4, $0x0;
	s18 =	sadd.s32 s1, s16;
	[dreg:$0xf] =	wrdreg s17  }
0xe: {  	s20 =	sadd.s32 $0x186A, s6;
	s19 =	sadd.s32 s8, s16;
	[dreg:$0x11] =	wrdreg s18  }
0xf: {  	s21 =	sadd.s32 $0x1D4C, s6;
	s22 =	sadd.s32 s1, s20;
	[dreg:$0x12] =	wrdreg s19  }
0x10: {  	p0 =	seq.s32 s5, $0x1;
	s23 =	sadd.s32 s1, s21;
	[dreg:$0x13] =	wrdreg s22  }
0x11: {  	s25 =	sadd.s32 $0x222E, s6;
	s24 =	sadd.s32 s8, s21;
	[dreg:$0x15] =	wrdreg s23  }
0x12: {  	s26 =	sadd.s32 $0x2710, s6;
	s29 =	sadd.s32 s1, s25;
	[dreg:$0x16] =	wrdreg s24  }
0x13: {  	p1 =	sne.s32 s5, $0x0;
	s12 =	sadd.s32 s1, s26;
	[dreg:$0x17] =	wrdreg s29  }
0x14: {  	s5 =	sor.u32 s4, s5;
	p4 =	por !p4, !p0;
	[dreg:$0x19] =	wrdreg s12  }
0x15: {  	p2 =	sne.s32 s5, $0x0;
	p4 =	por !p4, !p4;
	s23 =	rddreg [dreg:$0x6]  }
0x16: {  	s7 =	sadd.s32 s8, s15;
	s13 =	sadd.s32 s8, s26;
	s26 =	rddreg [dreg:$0x7]  }
0x17: {  	s21 =	sadd.s32 $0x41400, s0;
	s14 =	sadd.s32 s1, s6;
	[dreg:$0x10] =	wrdreg s7  }
0x18: {  	s15 =	sadd.s32 s8, s6;
	s6 =	sadd.s32 $0x2BF2, s6;
	[dreg:$0x1a] =	wrdreg s13  }
0x19: {  	s17 =	smul.u32 $0x1900, s4;
	s7 =	sadd.s32 s8, s20;
	s20 =	rddreg [dreg:$0x5]  }
0x1a: {  	s4 =	sshll.u32 s4, $0x6;
	s29 =	smax.u32 s11, $0x1;
	[dreg:$0x1b] =	wrdreg s14  }
0x1b: {  	s12 =	simm.s32 $0x5;
	[dreg:$0x1c] =	wrdreg s15;
	s1 =	sadd.s32 s1, s6  }
0x1c: {  	s16 =	sadd.s32 s8, s6;
	s4 =	sor.u32 $0x1C05, s4;
	[dreg:$0x14] =	wrdreg s7  }
0x1d: {  	s13 =	simm.s32 $0xD200;
	s14 =	simm.s32 $0x3400;
	[dreg:$0x1d] =	wrdreg s1  }
0x1e: {  	s15 =	simm.s32 $0x8300;
	s7 =	sadd.s32 s8, s25;
	[dreg:$0x1e] =	wrdreg s16  }
0x1f: {  	s18 =	sshrl.u32 s17, $0x3;
	s5 =	sadd.s32 s17, s2;
	s6 =	sadd.s32 s17, s20  }
0x20: {  	s16 =	simm.s32 $0x1;
	[dreg:$0x18] =	wrdreg s7;
	s19 =	sadd.s32 s18, s0  }
0x21: {  	s0 =	sadd.s32 $0x41A00, s0;
	_ =	strace $0x80000047;
	[dreg:$0x1f] =	wrdreg s21  }
0x22: {  	s17 =	simm.s32 $0x3;
	s1 =	simm.s32 $0x0;
	[smem:$0x7F9] =	sst s0  }
.Ltmp0:
0x23: {  	s0 =	sadd.s32 s31, s18;
	s7 =	sadd.s32 $0x3C00, s19;
	(pc) =	sbr.rel .LBB2_1-.Ltmp0, $4  }
0x24: {  	s22 =	sadd.s32 $0x3B000, s19;
	s24 =	sadd.s32 $0xA00, s19;
	[smem:$0x7FD] =	sst s29  }
0x25: {  	s25 =	sadd.s32 $0x37E00, s19;
	s18 =	simm.s32 $0x5B80;
	[smem:$0x7FA] =	sst s22  }
0x26: {  	s19 =	simm.s32 $0xAA80;
	s21 =	simm.s32 $0x2710;
	[smem:$0x7FB] =	sst s24  }
0x27: {  	[smem:$0x7FC] =	sst s25;
	s22 =	simm.s32 $0x2;
	s24 =	simm.s32 $0x4  }
.LBB2_18:
0x28: {  	v2 =	vmax.f32 v2, $1.000000000e+00  }
0x29: {  	(erf) = vrcp.f32 v2;
	_ =	sdelay $0x2  }
0x2a: {  	v59 =	vld [tilespmem:s25+$0x16180]  }
0x2b: {  	v4 =	vld [tilespmem:s25+$0x15D80]  }
0x2c: {  	v5 =	vld [tilespmem:s29+$0x16180];
	_ =	sdelay $0x1  }
0x2d: {  	v6 =	vpop (erf);
	v7 =	vld [tilespmem:s29+$0x15D80]  }
0x2e: {  	v1 =	vmul.f32 v3, v1;
	v2 =	vmul.f32 v6, v59  }
0x2f: {  	v60 =	vpop (erf)  }
0x30: {  	v0 =	vadd.f32 v1, v0;
	v61 =	vmul.f32 v2, v4;
	v62 =	vmul.f32 v60, v5;
	_ =	sdelay $0x1  }
0x31: {  	v0 =	vadd.f32 v61, v0;
	v63 =	vmul.f32 v62, v7;
	_ =	sdelay $0x1  }
0x32: {  	s8 =	sld [smem:$0x7F9];
	v0 =	vadd.f32 v63, v0;
	_ =	sdelay $0x1  }
0x33: {  	s9 =	simm.s32 $0x16980;
	[tilespmem:$0x169A0] =	vst v0  }
0x34: {  	[hbm4b:s8+s3] =	stream.linear.scatter [tilespmem:s9], [sflag:$0x5], $0x80, $0x38;
	[tilespmem:$0x16A00] =	vst v63  }
0x35: {  	_ =	swait.ge [sflag:s12], $0x80  }
0x36: {  	[sflag:s12] =	ssyncset.done $0x0  }
0x37: {  	[sflag:s12] =	ssyncadd.s32 $0xFFFFFF80  }
.LBB2_19:
0x38: {  	s8 =	sld [smem:$0x7FD];
	_ =	sdelay $0x1  }
0x39: {  	s1 =	sadd.s32 $0x1, s1  }
0x3a: {  	p5 =	sne.s32 s1, s8  }
.Ltmp1:
0x3b: {  	_ = 	snop;
	(pc) =	sbr.rel @!p5 .LBB2_20-.Ltmp1, $1  }
0x3c: {  	_ =	sdelay $0x3  }
.LBB2_1:
0x3d: {  	s8 =	sshrl.u32 s5, $0x3  }
0x3e: {  	[spmem:s8], [sflag:s4] =	dma.local [hbm:s0], $0x320  }
0x3f: {  	_ =	swait.ge [sflag:s12], $0x320  }
0x40: {  	[sflag:s12] =	ssyncset.done $0x0  }
0x41: {  	s25 =	sshrl.u32 s6, $0x3;
	[sflag:s12] =	ssyncadd.s32 $0xFFFFFCE0  }
0x42: {  	[spmem:s25], [sflag:s4] =	dma.local [hbm:s0], $0x320  }
0x43: {  	_ =	swait.ge [sflag:s12], $0x320  }
0x44: {  	[sflag:s12] =	ssyncset.done $0x0  }
0x45: {  	s8 =	sshrl.u32 @!p3 s23, $0x3;
	[sflag:s12] =	ssyncadd.s32 $0xFFFFFCE0  }
0x46: {  	[spmem:s8], [sflag:s4] =	dma.local @!p3 [hbm:s31], $0x100  }
0x47: {  	s8 =	simm.s32 @!p3 $0x5  }
0x48: {  	_ =	swait.ge @!p3 [sflag:s8], $0x100  }
0x49: {  	[sflag:s8] =	ssyncset.done @!p3 $0x0  }
0x4a: {  	s25 =	sshrl.u32 @!p3 s26, $0x3;
	[sflag:s8] =	ssyncadd.s32 @!p3 $0xFFFFFF00  }
0x4b: {  	[spmem:s25], [sflag:s4] =	dma.local @!p3 [hbm:s31], $0x100  }
0x4c: {  	_ =	swait.ge @!p3 [sflag:s8], $0x100  }
0x4d: {  	[sflag:s8] =	ssyncset.done @!p3 $0x0  }
0x4e: {  	s25 =	sshrl.u32 @!p3 s28, $0x3;
	[sflag:s8] =	ssyncadd.s32 @!p3 $0xFFFFFF00  }
0x4f: {  	[spmem:s25], [sflag:s4] =	dma.local @!p3 [hbm:s31], $0x100  }
0x50: {  	_ =	swait.ge @!p3 [sflag:s8], $0x100  }
0x51: {  	[sflag:s8] =	ssyncset.done @!p3 $0x0  }
0x52: {  	s25 =	sshrl.u32 @!p3 s30, $0x3;
	[sflag:s8] =	ssyncadd.s32 @!p3 $0xFFFFFF00  }
0x53: {  	[spmem:s25], [sflag:s4] =	dma.local @!p3 [hbm:s31], $0x100  }
0x54: {  	_ =	swait.ge @!p3 [sflag:s8], $0x100  }
0x55: {  	[sflag:s8] =	ssyncset.done @!p3 $0x0  }
0x56: {  	s29 =	rddreg [dreg:$0x1f];
	[sflag:s8] =	ssyncadd.s32 @!p3 $0xFFFFFF00  }
0x57: {  	[tilespmem:s13], [sflag:$0x5] =	stream.linear.gather [hbm4b:s29+s3], $0x2780, $0x38;
	[tilespmem:$0x16A00] =	vst v63  }
.Ltmp2:
0x58: {  	_ =	swait.ge [sflag:s12], $0x2780;
	(pc) =	sbr.rel @p1 .LBB2_3-.Ltmp2, $3  }
0x59: {  	[sflag:s12] =	ssyncset.done $0x0  }
0x5a: {  	[sflag:s12] =	ssyncadd.s32 $0xFFFFD880  }
0x5b: {  	[bflag:$0x0] =	sbarrier.arrive $0xFFFF;
	_ =	sdelay $0x1  }
0x5c: {  	s8 =	rddreg [dreg:$0x1b]  }
0x5d: {  	[tilespmem:s14], [sflag:$0x1] =	stream.linear.gather [hbm4b:s8+s3], $0x2710, $0x38;
	[tilespmem:$0x16A00] =	vst v63  }
0x5e: {  	s10 =	rddreg [dreg:$0x1c]  }
0x5f: {  	[tilespmem:s15], [sflag:$0x3] =	stream.linear.gather [hbm4b:s10+s3], $0x2710, $0x38;
	[tilespmem:$0x16A00] =	vst v63  }
0x60: {  	_ =	swait.ge [sflag:s16], $0x2710  }
0x61: {  	[sflag:s16] =	ssyncset.done $0x0  }
0x62: {  	[sflag:s16] =	ssyncadd.s32 $0xFFFFD8F0  }
0x63: {  	_ =	swait.ge [sflag:s17], $0x2710  }
0x64: {  	[sflag:s17] =	ssyncset.done $0x0  }
0x65: {  	s11 =	rddreg [dreg:$0xb];
	[sflag:s17] =	ssyncadd.s32 $0xFFFFD8F0  }
0x66: {  	[tilespmem:s18], [sflag:$0x2] =	stream.linear.gather [hbm4b:s11+s3], $0x2710, $0x38;
	[tilespmem:$0x16A00] =	vst v63  }
0x67: {  	s25 =	rddreg [dreg:$0xc]  }
0x68: {  	[tilespmem:s19], [sflag:$0x4] =	stream.linear.gather [hbm4b:s25+s3], $0x2710, $0x38;
	[tilespmem:$0x16A00] =	vst v63  }
0x69: {  	_ = 	snop  }
0x6a: {  	[spmem:s2] =	stream.indirect.scatter.add.f32 [tilespmem:s15], [sflag:$0x5], $0x1, s14, s21, $0xb8;
	[tilespmem:$0x16A00] =	vst v63  }
0x6b: {  	_ =	swait.ge [sflag:s12], $0x2710  }
0x6c: {  	[sflag:s12] =	ssyncset.done $0x0  }
0x6d: {  	[sflag:s12] =	ssyncadd.s32 $0xFFFFD8F0  }
0x6e: {  	[spmem:s20] =	stream.indirect.scatter.add.f32 [tilespmem:s13], [sflag:$0x5], $0x1, s14, s21, $0xb8;
	[tilespmem:$0x16A00] =	vst v63  }
0x6f: {  	_ =	swait.ge [sflag:s12], $0x2710  }
0x70: {  	[sflag:s12] =	ssyncset.done $0x0  }
0x71: {  	[sflag:s12] =	ssyncadd.s32 $0xFFFFD8F0  }
0x72: {  	_ =	swait.ge [sflag:s22], $0x2710  }
0x73: {  	[sflag:s22] =	ssyncset.done $0x0  }
0x74: {  	[sflag:s22] =	ssyncadd.s32 $0xFFFFD8F0  }
0x75: {  	_ =	swait.ge [sflag:s24], $0x2710  }
0x76: {  	[sflag:s24] =	ssyncset.done $0x0  }
0x77: {  	s29 =	rddreg [dreg:$0xd];
	[sflag:s24] =	ssyncadd.s32 $0xFFFFD8F0  }
0x78: {  	[tilespmem:s14], [sflag:$0x1] =	stream.linear.gather [hbm4b:s29+s3], $0x2710, $0x38;
	[tilespmem:$0x16A00] =	vst v63  }
0x79: {  	s9 =	rddreg [dreg:$0xe]  }
0x7a: {  	[tilespmem:s15], [sflag:$0x3] =	stream.linear.gather [hbm4b:s9+s3], $0x2710, $0x38;
	[tilespmem:$0x16A00] =	vst v63  }
0x7b: {  	_ = 	snop  }
0x7c: {  	[spmem:s2] =	stream.indirect.scatter.add.f32 [tilespmem:s19], [sflag:$0x5], $0x1, s18, s21, $0xb8;
	[tilespmem:$0x16A00] =	vst v63  }
0x7d: {  	_ =	swait.ge [sflag:s12], $0x2710  }
0x7e: {  	[sflag:s12] =	ssyncset.done $0x0  }
0x7f: {  	[sflag:s12] =	ssyncadd.s32 $0xFFFFD8F0  }
0x80: {  	[spmem:s20] =	stream.indirect.scatter.add.f32 [tilespmem:s13], [sflag:$0x5], $0x1, s18, s21, $0xb8;
	[tilespmem:$0x16A00] =	vst v63  }
0x81: {  	_ =	swait.ge [sflag:s12], $0x2710  }
0x82: {  	[sflag:s12] =	ssyncset.done $0x0  }
0x83: {  	[sflag:s12] =	ssyncadd.s32 $0xFFFFD8F0  }
0x84: {  	_ =	swait.ge [sflag:s16], $0x2710  }
0x85: {  	[sflag:s16] =	ssyncset.done $0x0  }
0x86: {  	[sflag:s16] =	ssyncadd.s32 $0xFFFFD8F0  }
0x87: {  	_ =	swait.ge [sflag:s17], $0x2710  }
0x88: {  	[sflag:s17] =	ssyncset.done $0x0  }
0x89: {  	s10 =	rddreg [dreg:$0xf];
	[sflag:s17] =	ssyncadd.s32 $0xFFFFD8F0  }
0x8a: {  	[tilespmem:s18], [sflag:$0x2] =	stream.linear.gather [hbm4b:s10+s3], $0x2710, $0x38;
	[tilespmem:$0x16A00] =	vst v63  }
0x8b: {  	s11 =	rddreg [dreg:$0x10]  }
0x8c: {  	[tilespmem:s19], [sflag:$0x4] =	stream.linear.gather [hbm4b:s11+s3], $0x2710, $0x38;
	[tilespmem:$0x16A00] =	vst v63  }
0x8d: {  	_ = 	snop  }
0x8e: {  	[spmem:s2] =	stream.indirect.scatter.add.f32 [tilespmem:s15], [sflag:$0x5], $0x1, s14, s21, $0xb8;
	[tilespmem:$0x16A00] =	vst v63  }
0x8f: {  	_ =	swait.ge [sflag:s12], $0x2710  }
0x90: {  	[sflag:s12] =	ssyncset.done $0x0  }
0x91: {  	[sflag:s12] =	ssyncadd.s32 $0xFFFFD8F0  }
0x92: {  	[spmem:s20] =	stream.indirect.scatter.add.f32 [tilespmem:s13], [sflag:$0x5], $0x1, s14, s21, $0xb8;
	[tilespmem:$0x16A00] =	vst v63  }
0x93: {  	_ =	swait.ge [sflag:s12], $0x2710  }
0x94: {  	[sflag:s12] =	ssyncset.done $0x0  }
0x95: {  	[sflag:s12] =	ssyncadd.s32 $0xFFFFD8F0  }
0x96: {  	_ =	swait.ge [sflag:s22], $0x2710  }
0x97: {  	[sflag:s22] =	ssyncset.done $0x0  }
0x98: {  	[sflag:s22] =	ssyncadd.s32 $0xFFFFD8F0  }
0x99: {  	_ =	swait.ge [sflag:s24], $0x2710  }
0x9a: {  	[sflag:s24] =	ssyncset.done $0x0  }
0x9b: {  	s25 =	rddreg [dreg:$0x11];
	[sflag:s24] =	ssyncadd.s32 $0xFFFFD8F0  }
0x9c: {  	[tilespmem:s14], [sflag:$0x1] =	stream.linear.gather [hbm4b:s25+s3], $0x2710, $0x38;
	[tilespmem:$0x16A00] =	vst v63  }
0x9d: {  	s29 =	rddreg [dreg:$0x12]  }
0x9e: {  	[tilespmem:s15], [sflag:$0x3] =	stream.linear.gather [hbm4b:s29+s3], $0x2710, $0x38;
	[tilespmem:$0x16A00] =	vst v63  }
0x9f: {  	_ = 	snop  }
0xa0: {  	[spmem:s2] =	stream.indirect.scatter.add.f32 [tilespmem:s19], [sflag:$0x5], $0x1, s18, s21, $0xb8;
	[tilespmem:$0x16A00] =	vst v63  }
0xa1: {  	_ =	swait.ge [sflag:s12], $0x2710  }
0xa2: {  	[sflag:s12] =	ssyncset.done $0x0  }
0xa3: {  	[sflag:s12] =	ssyncadd.s32 $0xFFFFD8F0  }
0xa4: {  	[spmem:s20] =	stream.indirect.scatter.add.f32 [tilespmem:s13], [sflag:$0x5], $0x1, s18, s21, $0xb8;
	[tilespmem:$0x16A00] =	vst v63  }
0xa5: {  	_ =	swait.ge [sflag:s12], $0x2710  }
0xa6: {  	[sflag:s12] =	ssyncset.done $0x0  }
0xa7: {  	[sflag:s12] =	ssyncadd.s32 $0xFFFFD8F0  }
0xa8: {  	_ =	swait.ge [sflag:s16], $0x2710  }
0xa9: {  	[sflag:s16] =	ssyncset.done $0x0  }
0xaa: {  	[sflag:s16] =	ssyncadd.s32 $0xFFFFD8F0  }
0xab: {  	_ =	swait.ge [sflag:s17], $0x2710  }
0xac: {  	[sflag:s17] =	ssyncset.done $0x0  }
0xad: {  	s9 =	rddreg [dreg:$0x13];
	[sflag:s17] =	ssyncadd.s32 $0xFFFFD8F0  }
0xae: {  	[tilespmem:s18], [sflag:$0x2] =	stream.linear.gather [hbm4b:s9+s3], $0x2710, $0x38;
	[tilespmem:$0x16A00] =	vst v63  }
0xaf: {  	s10 =	rddreg [dreg:$0x14]  }
0xb0: {  	[tilespmem:s19], [sflag:$0x4] =	stream.linear.gather [hbm4b:s10+s3], $0x2710, $0x38;
	[tilespmem:$0x16A00] =	vst v63  }
0xb1: {  	_ = 	snop  }
0xb2: {  	[spmem:s2] =	stream.indirect.scatter.add.f32 [tilespmem:s15], [sflag:$0x5], $0x1, s14, s21, $0xb8;
	[tilespmem:$0x16A00] =	vst v63  }
0xb3: {  	_ =	swait.ge [sflag:s12], $0x2710  }
0xb4: {  	[sflag:s12] =	ssyncset.done $0x0  }
0xb5: {  	[sflag:s12] =	ssyncadd.s32 $0xFFFFD8F0  }
0xb6: {  	[spmem:s20] =	stream.indirect.scatter.add.f32 [tilespmem:s13], [sflag:$0x5], $0x1, s14, s21, $0xb8;
	[tilespmem:$0x16A00] =	vst v63  }
0xb7: {  	_ =	swait.ge [sflag:s12], $0x2710  }
0xb8: {  	[sflag:s12] =	ssyncset.done $0x0  }
0xb9: {  	[sflag:s12] =	ssyncadd.s32 $0xFFFFD8F0  }
0xba: {  	_ =	swait.ge [sflag:s22], $0x2710  }
0xbb: {  	[sflag:s22] =	ssyncset.done $0x0  }
0xbc: {  	[sflag:s22] =	ssyncadd.s32 $0xFFFFD8F0  }
0xbd: {  	_ =	swait.ge [sflag:s24], $0x2710  }
0xbe: {  	[sflag:s24] =	ssyncset.done $0x0  }
0xbf: {  	s11 =	rddreg [dreg:$0x15];
	[sflag:s24] =	ssyncadd.s32 $0xFFFFD8F0  }
0xc0: {  	[tilespmem:s14], [sflag:$0x1] =	stream.linear.gather [hbm4b:s11+s3], $0x2710, $0x38;
	[tilespmem:$0x16A00] =	vst v63  }
0xc1: {  	s25 =	rddreg [dreg:$0x16]  }
0xc2: {  	[tilespmem:s15], [sflag:$0x3] =	stream.linear.gather [hbm4b:s25+s3], $0x2710, $0x38;
	[tilespmem:$0x16A00] =	vst v63  }
0xc3: {  	_ = 	snop  }
0xc4: {  	[spmem:s2] =	stream.indirect.scatter.add.f32 [tilespmem:s19], [sflag:$0x5], $0x1, s18, s21, $0xb8;
	[tilespmem:$0x16A00] =	vst v63  }
0xc5: {  	_ =	swait.ge [sflag:s12], $0x2710  }
0xc6: {  	[sflag:s12] =	ssyncset.done $0x0  }
0xc7: {  	[sflag:s12] =	ssyncadd.s32 $0xFFFFD8F0  }
0xc8: {  	[spmem:s20] =	stream.indirect.scatter.add.f32 [tilespmem:s13], [sflag:$0x5], $0x1, s18, s21, $0xb8;
	[tilespmem:$0x16A00] =	vst v63  }
0xc9: {  	_ =	swait.ge [sflag:s12], $0x2710  }
0xca: {  	[sflag:s12] =	ssyncset.done $0x0  }
0xcb: {  	[sflag:s12] =	ssyncadd.s32 $0xFFFFD8F0  }
0xcc: {  	_ =	swait.ge [sflag:s16], $0x2710  }
0xcd: {  	[sflag:s16] =	ssyncset.done $0x0  }
0xce: {  	[sflag:s16] =	ssyncadd.s32 $0xFFFFD8F0  }
0xcf: {  	_ =	swait.ge [sflag:s17], $0x2710  }
0xd0: {  	[sflag:s17] =	ssyncset.done $0x0  }
0xd1: {  	s29 =	rddreg [dreg:$0x17];
	[sflag:s17] =	ssyncadd.s32 $0xFFFFD8F0  }
0xd2: {  	[tilespmem:s18], [sflag:$0x2] =	stream.linear.gather [hbm4b:s29+s3], $0x2710, $0x38;
	[tilespmem:$0x16A00] =	vst v63  }
0xd3: {  	s9 =	rddreg [dreg:$0x18]  }
0xd4: {  	[tilespmem:s19], [sflag:$0x4] =	stream.linear.gather [hbm4b:s9+s3], $0x2710, $0x38;
	[tilespmem:$0x16A00] =	vst v63  }
0xd5: {  	_ = 	snop  }
0xd6: {  	[spmem:s2] =	stream.indirect.scatter.add.f32 [tilespmem:s15], [sflag:$0x5], $0x1, s14, s21, $0xb8;
	[tilespmem:$0x16A00] =	vst v63  }
0xd7: {  	_ =	swait.ge [sflag:s12], $0x2710  }
0xd8: {  	[sflag:s12] =	ssyncset.done $0x0  }
0xd9: {  	[sflag:s12] =	ssyncadd.s32 $0xFFFFD8F0  }
0xda: {  	[spmem:s20] =	stream.indirect.scatter.add.f32 [tilespmem:s13], [sflag:$0x5], $0x1, s14, s21, $0xb8;
	[tilespmem:$0x16A00] =	vst v63  }
0xdb: {  	_ =	swait.ge [sflag:s12], $0x2710  }
0xdc: {  	[sflag:s12] =	ssyncset.done $0x0  }
0xdd: {  	[sflag:s12] =	ssyncadd.s32 $0xFFFFD8F0  }
0xde: {  	_ =	swait.ge [sflag:s22], $0x2710  }
0xdf: {  	[sflag:s22] =	ssyncset.done $0x0  }
0xe0: {  	[sflag:s22] =	ssyncadd.s32 $0xFFFFD8F0  }
0xe1: {  	_ =	swait.ge [sflag:s24], $0x2710  }
0xe2: {  	[sflag:s24] =	ssyncset.done $0x0  }
0xe3: {  	s10 =	rddreg [dreg:$0x19];
	[sflag:s24] =	ssyncadd.s32 $0xFFFFD8F0  }
0xe4: {  	[tilespmem:s14], [sflag:$0x1] =	stream.linear.gather [hbm4b:s10+s3], $0x2710, $0x38;
	[tilespmem:$0x16A00] =	vst v63  }
0xe5: {  	s11 =	rddreg [dreg:$0x1a]  }
0xe6: {  	[tilespmem:s15], [sflag:$0x3] =	stream.linear.gather [hbm4b:s11+s3], $0x2710, $0x38;
	[tilespmem:$0x16A00] =	vst v63  }
0xe7: {  	_ = 	snop  }
0xe8: {  	[spmem:s2] =	stream.indirect.scatter.add.f32 [tilespmem:s19], [sflag:$0x5], $0x1, s18, s21, $0xb8;
	[tilespmem:$0x16A00] =	vst v63  }
0xe9: {  	_ =	swait.ge [sflag:s12], $0x2710  }
0xea: {  	[sflag:s12] =	ssyncset.done $0x0  }
0xeb: {  	[sflag:s12] =	ssyncadd.s32 $0xFFFFD8F0  }
0xec: {  	[spmem:s20] =	stream.indirect.scatter.add.f32 [tilespmem:s13], [sflag:$0x5], $0x1, s18, s21, $0xb8;
	[tilespmem:$0x16A00] =	vst v63  }
0xed: {  	_ =	swait.ge [sflag:s12], $0x2710  }
0xee: {  	[sflag:s12] =	ssyncset.done $0x0  }
0xef: {  	[sflag:s12] =	ssyncadd.s32 $0xFFFFD8F0  }
0xf0: {  	_ =	swait.ge [sflag:s16], $0x2710  }
0xf1: {  	[sflag:s16] =	ssyncset.done $0x0  }
0xf2: {  	[sflag:s16] =	ssyncadd.s32 $0xFFFFD8F0  }
0xf3: {  	_ =	swait.ge [sflag:s17], $0x2710  }
0xf4: {  	[sflag:s17] =	ssyncset.done $0x0  }
0xf5: {  	s25 =	rddreg [dreg:$0x1d];
	[sflag:s17] =	ssyncadd.s32 $0xFFFFD8F0  }
0xf6: {  	[tilespmem:s18], [sflag:$0x2] =	stream.linear.gather [hbm4b:s25+s3], $0x2710, $0x38;
	[tilespmem:$0x16A00] =	vst v63  }
0xf7: {  	s29 =	rddreg [dreg:$0x1e]  }
0xf8: {  	[tilespmem:s19], [sflag:$0x4] =	stream.linear.gather [hbm4b:s29+s3], $0x2710, $0x38;
	[tilespmem:$0x16A00] =	vst v63  }
0xf9: {  	_ = 	snop  }
0xfa: {  	[spmem:s2] =	stream.indirect.scatter.add.f32 [tilespmem:s15], [sflag:$0x5], $0x1, s14, s21, $0xb8;
	[tilespmem:$0x16A00] =	vst v63  }
0xfb: {  	_ =	swait.ge [sflag:s12], $0x2710  }
0xfc: {  	[sflag:s12] =	ssyncset.done $0x0  }
0xfd: {  	[sflag:s12] =	ssyncadd.s32 $0xFFFFD8F0  }
0xfe: {  	[spmem:s20] =	stream.indirect.scatter.add.f32 [tilespmem:s13], [sflag:$0x5], $0x1, s14, s21, $0xb8;
	[tilespmem:$0x16A00] =	vst v63  }
0xff: {  	_ =	swait.ge [sflag:s12], $0x2710  }
0x100: {  	[sflag:s12] =	ssyncset.done $0x0  }
0x101: {  	[sflag:s12] =	ssyncadd.s32 $0xFFFFD8F0  }
0x102: {  	_ =	swait.ge [sflag:s22], $0x2710  }
0x103: {  	[sflag:s22] =	ssyncset.done $0x0  }
0x104: {  	[sflag:s22] =	ssyncadd.s32 $0xFFFFD8F0  }
0x105: {  	_ =	swait.ge [sflag:s24], $0x2710  }
0x106: {  	[sflag:s24] =	ssyncset.done $0x0  }
0x107: {  	[sflag:s24] =	ssyncadd.s32 $0xFFFFD8F0  }
0x108: {  	[spmem:s2] =	stream.indirect.scatter.add.f32 [tilespmem:s19], [sflag:$0x5], $0x1, s18, s21, $0xb8;
	[tilespmem:$0x16A00] =	vst v63  }
0x109: {  	_ =	swait.ge [sflag:s12], $0x2710  }
0x10a: {  	[sflag:s12] =	ssyncset.done $0x0  }
0x10b: {  	[sflag:s12] =	ssyncadd.s32 $0xFFFFD8F0  }
0x10c: {  	[spmem:s20] =	stream.indirect.scatter.add.f32 [tilespmem:s13], [sflag:$0x5], $0x1, s18, s21, $0xb8;
	[tilespmem:$0x16A00] =	vst v63  }
0x10d: {  	_ =	swait.ge [sflag:s12], $0x2710  }
0x10e: {  	[sflag:s12] =	ssyncset.done $0x0  }
0x10f: {  	[sflag:s12] =	ssyncadd.s32 $0xFFFFD8F0  }
.LBB2_3:
0x110: {  	s8 =	simm.s32 @p0 $0x0;
	s25 =	simm.s32 @p0 $0xF980;
	s29 =	simm.s32 @p0 $0x5  }
0x111: {  	[tilespmem:s25], [sflag:$0x5] =	stream.linear.gather @p0 [hbm4b:s7+s8], $0x1900, $0x38;
	[tilespmem:$0x16A00] =	vst v63  }
0x112: {  	_ =	swait.ge @p0 [sflag:s29], $0x1900  }
0x113: {  	s10 =	sld [smem:$0x7FA]  }
0x114: {  	[sflag:s29] =	ssyncset.done @p0 $0x0  }
0x115: {  	s9 =	simm.s32 @p0 $0x11280;
	[sflag:s29] =	ssyncadd.s32 @p0 $0xFFFFE700  }
0x116: {  	[tilespmem:s9], [sflag:$0x5] =	stream.linear.gather @p0 [hbm4b:s10+s8], $0x1900, $0x38;
	[tilespmem:$0x16A00] =	vst v63  }
0x117: {  	_ =	swait.ge @p0 [sflag:s29], $0x1900  }
0x118: {  	[sflag:s29] =	ssyncset.done @p0 $0x0  }
0x119: {  	s10 =	simm.s32 @p0 $0x1900;
	[sflag:s29] =	ssyncadd.s32 @p0 $0xFFFFE700  }
0x11a: {  	[spmem:s23] =	stream.indirect.scatter.add.f32 @p0 [tilespmem:s9], [sflag:$0x5], $0x1, s25, s10, $0xb8;
	[tilespmem:$0x16A00] =	vst v63  }
0x11b: {  	_ =	swait.ge @p0 [sflag:s29], $0x1900  }
0x11c: {  	s11 =	sld [smem:$0x7FB]  }
0x11d: {  	[sflag:s29] =	ssyncset.done @p0 $0x0  }
0x11e: {  	[sflag:s29] =	ssyncadd.s32 @p0 $0xFFFFE700  }
0x11f: {  	[tilespmem:s9], [sflag:$0x5] =	stream.linear.gather @p0 [hbm4b:s11+s8], $0x1900, $0x38;
	[tilespmem:$0x16A00] =	vst v63  }
0x120: {  	_ =	swait.ge @p0 [sflag:s29], $0x1900  }
0x121: {  	[sflag:s29] =	ssyncset.done @p0 $0x0  }
0x122: {  	[sflag:s29] =	ssyncadd.s32 @p0 $0xFFFFE700  }
0x123: {  	[spmem:s26] =	stream.indirect.scatter.add.f32 @p0 [tilespmem:s9], [sflag:$0x5], $0x1, s25, s10, $0xb8;
	[tilespmem:$0x16A00] =	vst v63  }
0x124: {  	_ =	swait.ge @p0 [sflag:s29], $0x1900  }
0x125: {  	s11 =	sld [smem:$0x7FC]  }
0x126: {  	[sflag:s29] =	ssyncset.done @p0 $0x0  }
0x127: {  	[sflag:s29] =	ssyncadd.s32 @p0 $0xFFFFE700  }
0x128: {  	[tilespmem:s9], [sflag:$0x5] =	stream.linear.gather @p0 [hbm4b:s11+s8], $0x1900, $0x38;
	[tilespmem:$0x16A00] =	vst v63  }
0x129: {  	_ =	swait.ge @p0 [sflag:s29], $0x1900  }
0x12a: {  	[sflag:s29] =	ssyncset.done @p0 $0x0  }
0x12b: {  	[sflag:s29] =	ssyncadd.s32 @p0 $0xFFFFE700  }
0x12c: {  	[spmem:s28] =	stream.indirect.scatter.add.f32 @p0 [tilespmem:s9], [sflag:$0x5], $0x1, s25, s10, $0xb8;
	[tilespmem:$0x16A00] =	vst v63  }
0x12d: {  	_ =	swait.ge @p0 [sflag:s29], $0x1900  }
0x12e: {  	[sflag:s29] =	ssyncset.done @p0 $0x0  }
0x12f: {  	s8 =	simm.s32 @p0 $0xD200;
	[sflag:s29] =	ssyncadd.s32 @p0 $0xFFFFE700  }
0x130: {  	[spmem:s30] =	stream.indirect.scatter.add.f32 @p0 [tilespmem:s8], [sflag:$0x5], $0x1, s25, s10, $0xb8;
	[tilespmem:$0x16A00] =	vst v63  }
.Ltmp3:
0x131: {  	_ =	swait.ge @p0 [sflag:s29], $0x1900;
	(pc) =	sbr.rel @p1 .LBB2_7-.Ltmp3, $3  }
0x132: {  	[sflag:s29] =	ssyncset.done @p0 $0x0  }
0x133: {  	[sflag:s29] =	ssyncadd.s32 @p0 $0xFFFFE700  }
0x134: {  	[bflag:$0x0] =	sbarrier.arrive $0xFFFF;
	_ =	sdelay $0x1  }
0x135: {  	s8 =	simm.s32 $0x12B80  }
0x136: {  	[tilespmem:s8], [sflag:$0x5] =	stream.linear.gather [spmem:s5], $0x1900, $0x38;
	[tilespmem:$0x16A00] =	vst v63  }
0x137: {  	_ =	swait.ge [sflag:s12], $0x1900  }
0x138: {  	[sflag:s12] =	ssyncset.done $0x0  }
0x139: {  	s25 =	simm.s32 $0x14480;
	[sflag:s12] =	ssyncadd.s32 $0xFFFFE700  }
0x13a: {  	[tilespmem:s25], [sflag:$0x5] =	stream.linear.gather [spmem:s6], $0x1900, $0x38;
	[tilespmem:$0x16A00] =	vst v63  }
0x13b: {  	_ =	swait.ge [sflag:s12], $0x1900  }
0x13c: {  	[sflag:s12] =	ssyncset.done $0x0  }
0x13d: {  	s25 =	simm.s32 $0x0;
	[sflag:s12] =	ssyncadd.s32 $0xFFFFE700  }
0x13e: {  	v0 =	vld [tilespmem:s25+$0x14480];
	_ =	sdelay $0x4  }
0x13f: {  	v0 =	vmax.f32 v0, $1.000000000e+00  }
0x140: {  	(erf) = vrcp.f32 v0;
	_ =	sdelay $0x2  }
0x141: {  	s29 =	simm.s32 $0x10;
	s8 =	simm.s32 $0x80;
	v0 =	vld [tilespmem:s25+$0x12B80]  }
.LBB2_5:
0x142: {  	p5 =	sne.s32 s8, $0x63C0;
	v1 =	vld [tilespmem:s29+$0x14480];
	_ =	sdelay $0x3  }
0x143: {  	v0 =	vmul.f32 $5.000000000e-01, v0  }
.Ltmp4:
0x144: {  	v1 =	vmax.f32 v1, $1.000000000e+00;
	v2 =	vpop (erf);
	(pc) =	sbr.rel @p5 .LBB2_5-.Ltmp4, $3  }
0x145: {  	(erf) = vrcp.f32 v1;
	v0 =	vmul.f32 v2, v0;
	_ =	sdelay $0x1  }
0x146: {  	[tilespmem:s25+$0x12B80] =	vst v0;
	s25 =	smov.u32 s29  }
0x147: {  	s29 =	sshra.s32 s8, $0x2;
	s8 =	sadd.s32 $0x40, s8;
	v0 =	vld [tilespmem:s25+$0x12B80]  }
0x148: {  	v1 =	vld [tilespmem:s29+$0x14480];
	_ =	sdelay $0x3  }
0x149: {  	v0 =	vmul.f32 $5.000000000e-01, v0  }
0x14a: {  	v1 =	vmax.f32 v1, $1.000000000e+00;
	v2 =	vpop (erf)  }
0x14b: {  	(erf) = vrcp.f32 v1;
	v0 =	vmul.f32 v2, v0;
	_ =	sdelay $0x1  }
0x14c: {  	[tilespmem:s25+$0x12B80] =	vst v0  }
0x14d: {  	v0 =	vld [tilespmem:s29+$0x12B80];
	_ =	sdelay $0x4  }
0x14e: {  	v0 =	vmul.f32 $5.000000000e-01, v0  }
0x14f: {  	v1 =	vpop (erf)  }
0x150: {  	v0 =	vmul.f32 v1, v0;
	_ =	sdelay $0x1  }
0x151: {  	s9 =	simm.s32 $0xF980;
	[tilespmem:s29+$0x12B80] =	vst v0  }
0x152: {  	[tilespmem:s9], [sflag:$0x5] =	stream.linear.gather [hbm4b:s7+s3], $0x1900, $0x38;
	[tilespmem:$0x16A00] =	vst v63  }
0x153: {  	_ =	swait.ge [sflag:s12], $0x1900  }
0x154: {  	[sflag:s12] =	ssyncset.done $0x0  }
0x155: {  	s8 =	simm.s32 $0x12B80;
	s10 =	simm.s32 $0x1900;
	[sflag:s12] =	ssyncadd.s32 $0xFFFFE700  }
0x156: {  	[spmem:s23] =	stream.indirect.scatter.add.f32 [tilespmem:s8], [sflag:$0x5], $0x1, s9, s10, $0xb8;
	[tilespmem:$0x16A00] =	vst v63  }
0x157: {  	_ =	swait.ge [sflag:s12], $0x1900  }
0x158: {  	[sflag:s12] =	ssyncset.done $0x0  }
0x159: {  	[sflag:s12] =	ssyncadd.s32 $0xFFFFE700  }
0x15a: {  	[spmem:s30] =	stream.indirect.scatter.add.f32 [tilespmem:s13], [sflag:$0x5], $0x1, s9, s10, $0xb8;
	[tilespmem:$0x16A00] =	vst v63  }
0x15b: {  	_ =	swait.ge [sflag:s12], $0x1900  }
0x15c: {  	[sflag:s12] =	ssyncset.done $0x0  }
0x15d: {  	[sflag:s12] =	ssyncadd.s32 $0xFFFFE700  }
.LBB2_7:
.Ltmp5:
0x15e: {  	(pc) =	sbr.rel @p2 .LBB2_11-.Ltmp5, $2  }
0x15f: {  	_ =	sdelay $0x1  }
0x160: {  	[bflag:$0x0] =	sbarrier.arrive $0xFFFF;
	_ =	sdelay $0x1  }
0x161: {  	s8 =	simm.s32 $0x0;
	s9 =	rddreg [dreg:$0x2];
	s10 =	simm.s32 $0x15D80  }
0x162: {  	[tilespmem:s10], [sflag:$0x5] =	stream.linear.gather [hbm4b:s9+s8], $0x400, $0x38;
	[tilespmem:$0x16A00] =	vst v63  }
0x163: {  	_ =	swait.ge [sflag:s12], $0x400  }
0x164: {  	[sflag:s12] =	ssyncset.done $0x0  }
0x165: {  	s9 =	simm.s32 $0x16580;
	[sflag:s12] =	ssyncadd.s32 $0xFFFFFC00  }
0x166: {  	[tilespmem:s9], [sflag:$0x5] =	stream.linear.gather [spmem:s30], $0x400, $0x38;
	[tilespmem:$0x16A00] =	vst v63  }
0x167: {  	_ =	swait.ge [sflag:s12], $0x400  }
0x168: {  	[sflag:s12] =	ssyncset.done $0x0  }
0x169: {  	s10 =	simm.s32 $0x16180;
	[sflag:s12] =	ssyncadd.s32 $0xFFFFFC00  }
0x16a: {  	[tilespmem:s10], [sflag:$0x5] =	stream.linear.gather [spmem:s23], $0x400, $0x38;
	[tilespmem:$0x16A00] =	vst v63  }
0x16b: {  	_ =	swait.ge [sflag:s12], $0x400  }
0x16c: {  	[sflag:s12] =	ssyncset.done $0x0  }
0x16d: {  	s11 =	simm.s32 $0x0;
	[sflag:s12] =	ssyncadd.s32 $0xFFFFFC00  }
0x16e: {  	v0 =	vld [tilespmem:s11+$0x16580];
	_ =	sdelay $0x4  }
0x16f: {  	v0 =	vmax.f32 v0, $1.000000000e+00  }
0x170: {  	(erf) = vrcp.f32 v0;
	_ =	sdelay $0x1  }
0x171: {  	s25 =	simm.s32 $0x10  }
0x172: {  	v0 =	vld [tilespmem:s25+$0x16580];
	_ =	sdelay $0x4  }
0x173: {  	s29 =	simm.s32 $0x20;
	v3 =	vld [tilespmem:s11+$0x16180];
	v1 =	vmax.f32 v0, $1.000000000e+00  }
0x174: {  	v2 =	vld [tilespmem:s29+$0x16580];
	v4 =	vpop (erf);
	(erf) = vrcp.f32 v1  }
0x175: {  	v1 =	vld [tilespmem:s11+$0x15D80];
	_ =	sdelay $0x2  }
0x176: {  	s8 =	simm.s32 $0xC0;
	v0 =	vimm.f32 $0.0e+00;
	v3 =	vmul.f32 v4, v3  }
.LBB2_9:
0x177: {  	s9 =	sshra.s32 s8, $0x2;
	p5 =	sne.s32 s8, $0xFC0;
	s8 =	sadd.s32 $0x40, s8;
	v4 =	vmax.f32 v2, $1.000000000e+00;
	v5 =	vld [tilespmem:s25+$0x16180]  }
.Ltmp6:
0x178: {  	v2 =	vld [tilespmem:s9+$0x16580];
	(erf) = vrcp.f32 v4;
	v4 =	vmul.f32 v3, v1;
	(pc) =	sbr.rel @p5 .LBB2_9-.Ltmp6, $4  }
0x179: {  	v1 =	vld [tilespmem:s25+$0x15D80];
	s25 =	smov.u32 s29;
	s29 =	smov.u32 s9  }
0x17a: {  	v0 =	vadd.f32 v4, v0  }
0x17b: {  	v3 =	vpop (erf)  }
0x17c: {  	v3 =	vmul.f32 v3, v5  }
0x17d: {  	v2 =	vmax.f32 v2, $1.000000000e+00  }
0x17e: {  	(erf) = vrcp.f32 v2;
	_ =	sdelay $0x2  }
0x17f: {  	v59 =	vld [tilespmem:s25+$0x16180]  }
0x180: {  	v4 =	vld [tilespmem:s25+$0x15D80]  }
0x181: {  	v5 =	vld [tilespmem:s29+$0x16180];
	_ =	sdelay $0x1  }
0x182: {  	v7 =	vld [tilespmem:s29+$0x15D80];
	v6 =	vpop (erf)  }
0x183: {  	v1 =	vmul.f32 v3, v1;
	v2 =	vmul.f32 v6, v59  }
0x184: {  	v60 =	vpop (erf)  }
0x185: {  	v0 =	vadd.f32 v1, v0;
	v61 =	vmul.f32 v2, v4;
	v62 =	vmul.f32 v60, v5;
	_ =	sdelay $0x1  }
0x186: {  	v0 =	vadd.f32 v61, v0;
	v63 =	vmul.f32 v62, v7;
	_ =	sdelay $0x1  }
0x187: {  	v0 =	vadd.f32 v63, v0;
	_ =	sdelay $0x1  }
0x188: {  	s8 =	rddreg [dreg:$0x3];
	s9 =	simm.s32 $0x16980;
	[tilespmem:$0x16980] =	vst v0  }
0x189: {  	[hbm4b:s8+s3] =	stream.linear.scatter [tilespmem:s9], [sflag:$0x5], $0x10, $0x38;
	[tilespmem:$0x16A00] =	vst v63  }
0x18a: {  	_ =	swait.ge [sflag:s12], $0x10  }
0x18b: {  	[sflag:s12] =	ssyncset.done $0x0  }
0x18c: {  	[sflag:s12] =	ssyncadd.s32 $0xFFFFFFF0  }
.LBB2_11:
.Ltmp7:
0x18d: {  	(pc) =	sbr.rel @!p4 .LBB2_19-.Ltmp7, $1  }
0x18e: {  	_ =	sdelay $0x3  }
0x18f: {  	s8 =	simm.s32 $0x0;
	s9 =	rddreg [dreg:$0x2];
	s10 =	simm.s32 $0x15D80  }
0x190: {  	[tilespmem:s10], [sflag:$0x5] =	stream.linear.gather [hbm4b:s9+s8], $0x400, $0x38;
	[tilespmem:$0x16A00] =	vst v63  }
0x191: {  	_ =	swait.ge [sflag:s12], $0x400  }
0x192: {  	[sflag:s12] =	ssyncset.done $0x0  }
0x193: {  	s9 =	simm.s32 $0x16580;
	[sflag:s12] =	ssyncadd.s32 $0xFFFFFC00  }
0x194: {  	[tilespmem:s9], [sflag:$0x5] =	stream.linear.gather [spmem:s30], $0x400, $0x38;
	[tilespmem:$0x16A00] =	vst v63  }
0x195: {  	_ =	swait.ge [sflag:s12], $0x400  }
0x196: {  	[sflag:s12] =	ssyncset.done $0x0  }
0x197: {  	s10 =	simm.s32 $0x16180;
	[sflag:s12] =	ssyncadd.s32 $0xFFFFFC00  }
0x198: {  	[tilespmem:s10], [sflag:$0x5] =	stream.linear.gather [spmem:s23], $0x400, $0x38;
	[tilespmem:$0x16A00] =	vst v63  }
0x199: {  	_ =	swait.ge [sflag:s12], $0x400  }
0x19a: {  	[sflag:s12] =	ssyncset.done $0x0  }
0x19b: {  	s11 =	simm.s32 $0x0;
	[sflag:s12] =	ssyncadd.s32 $0xFFFFFC00  }
0x19c: {  	v0 =	vld [tilespmem:s11+$0x16580];
	_ =	sdelay $0x4  }
0x19d: {  	v0 =	vmax.f32 v0, $1.000000000e+00  }
0x19e: {  	(erf) = vrcp.f32 v0;
	_ =	sdelay $0x1  }
0x19f: {  	s25 =	simm.s32 $0x10  }
0x1a0: {  	v0 =	vld [tilespmem:s25+$0x16580];
	_ =	sdelay $0x4  }
0x1a1: {  	s29 =	simm.s32 $0x20;
	v3 =	vld [tilespmem:s11+$0x16180];
	v1 =	vmax.f32 v0, $1.000000000e+00  }
0x1a2: {  	v2 =	vld [tilespmem:s29+$0x16580];
	v4 =	vpop (erf);
	(erf) = vrcp.f32 v1  }
0x1a3: {  	v1 =	vld [tilespmem:s11+$0x15D80];
	_ =	sdelay $0x2  }
0x1a4: {  	s8 =	simm.s32 $0xC0;
	v0 =	vimm.f32 $0.0e+00;
	v3 =	vmul.f32 v4, v3  }
.LBB2_13:
0x1a5: {  	s9 =	sshra.s32 s8, $0x2;
	p5 =	sne.s32 s8, $0xFC0;
	s8 =	sadd.s32 $0x40, s8;
	v4 =	vmax.f32 v2, $1.000000000e+00;
	v5 =	vld [tilespmem:s25+$0x16180]  }
.Ltmp8:
0x1a6: {  	v2 =	vld [tilespmem:s9+$0x16580];
	(erf) = vrcp.f32 v4;
	v4 =	vmul.f32 v3, v1;
	(pc) =	sbr.rel @p5 .LBB2_13-.Ltmp8, $4  }
0x1a7: {  	v1 =	vld [tilespmem:s25+$0x15D80];
	s25 =	smov.u32 s29;
	s29 =	smov.u32 s9  }
0x1a8: {  	v0 =	vadd.f32 v4, v0  }
0x1a9: {  	v3 =	vpop (erf)  }
0x1aa: {  	v3 =	vmul.f32 v3, v5  }
0x1ab: {  	v2 =	vmax.f32 v2, $1.000000000e+00  }
0x1ac: {  	(erf) = vrcp.f32 v2;
	_ =	sdelay $0x2  }
0x1ad: {  	v2 =	vld [tilespmem:s25+$0x16180]  }
0x1ae: {  	v4 =	vld [tilespmem:s25+$0x15D80]  }
0x1af: {  	v5 =	vld [tilespmem:s29+$0x16180];
	_ =	sdelay $0x1  }
0x1b0: {  	v7 =	vld [tilespmem:s29+$0x15D80];
	v6 =	vpop (erf)  }
0x1b1: {  	v1 =	vmul.f32 v3, v1;
	v2 =	vmul.f32 v6, v2  }
0x1b2: {  	v3 =	vpop (erf)  }
0x1b3: {  	v0 =	vadd.f32 v1, v0;
	v1 =	vmul.f32 v2, v4;
	v2 =	vmul.f32 v3, v5;
	_ =	sdelay $0x1  }
0x1b4: {  	v0 =	vadd.f32 v1, v0;
	v1 =	vmul.f32 v2, v7;
	_ =	sdelay $0x1  }
0x1b5: {  	v0 =	vadd.f32 v1, v0;
	_ =	sdelay $0x1  }
0x1b6: {  	s8 =	simm.s32 $0x16180;
	[tilespmem:$0x16980] =	vst v0  }
0x1b7: {  	[tilespmem:s8], [sflag:$0x5] =	stream.linear.gather [spmem:s26], $0x400, $0x38;
	[tilespmem:$0x16A00] =	vst v63  }
0x1b8: {  	_ =	swait.ge [sflag:s12], $0x400  }
0x1b9: {  	[sflag:s12] =	ssyncset.done $0x0  }
0x1ba: {  	s9 =	simm.s32 $0x0;
	[sflag:s12] =	ssyncadd.s32 $0xFFFFFC00  }
0x1bb: {  	v0 =	vld [tilespmem:s9+$0x16580];
	_ =	sdelay $0x4  }
0x1bc: {  	v0 =	vmax.f32 v0, $1.000000000e+00  }
0x1bd: {  	(erf) = vrcp.f32 v0;
	_ =	sdelay $0x1  }
0x1be: {  	s25 =	simm.s32 $0x10  }
0x1bf: {  	v0 =	vld [tilespmem:s25+$0x16580];
	_ =	sdelay $0x4  }
0x1c0: {  	s29 =	simm.s32 $0x20;
	v3 =	vld [tilespmem:s9+$0x16180];
	v1 =	vmax.f32 v0, $1.000000000e+00  }
0x1c1: {  	v2 =	vld [tilespmem:s29+$0x16580];
	v4 =	vpop (erf);
	(erf) = vrcp.f32 v1  }
0x1c2: {  	v1 =	vld [tilespmem:s9+$0x15D80];
	_ =	sdelay $0x2  }
0x1c3: {  	s8 =	simm.s32 $0xC0;
	v0 =	vimm.f32 $0.0e+00;
	v3 =	vmul.f32 v4, v3  }
.LBB2_15:
0x1c4: {  	s9 =	sshra.s32 s8, $0x2;
	p5 =	sne.s32 s8, $0xFC0;
	s8 =	sadd.s32 $0x40, s8;
	v4 =	vmax.f32 v2, $1.000000000e+00;
	v5 =	vld [tilespmem:s25+$0x16180]  }
.Ltmp9:
0x1c5: {  	v2 =	vld [tilespmem:s9+$0x16580];
	(erf) = vrcp.f32 v4;
	v4 =	vmul.f32 v3, v1;
	(pc) =	sbr.rel @p5 .LBB2_15-.Ltmp9, $4  }
0x1c6: {  	v1 =	vld [tilespmem:s25+$0x15D80];
	s25 =	smov.u32 s29;
	s29 =	smov.u32 s9  }
0x1c7: {  	v0 =	vadd.f32 v4, v0  }
0x1c8: {  	v3 =	vpop (erf)  }
0x1c9: {  	v3 =	vmul.f32 v3, v5  }
0x1ca: {  	v2 =	vmax.f32 v2, $1.000000000e+00  }
0x1cb: {  	(erf) = vrcp.f32 v2;
	_ =	sdelay $0x2  }
0x1cc: {  	v2 =	vld [tilespmem:s25+$0x16180]  }
0x1cd: {  	v4 =	vld [tilespmem:s25+$0x15D80]  }
0x1ce: {  	v5 =	vld [tilespmem:s29+$0x16180];
	_ =	sdelay $0x1  }
0x1cf: {  	v7 =	vld [tilespmem:s29+$0x15D80];
	v6 =	vpop (erf)  }
0x1d0: {  	v1 =	vmul.f32 v3, v1;
	v2 =	vmul.f32 v6, v2  }
0x1d1: {  	v3 =	vpop (erf)  }
0x1d2: {  	v0 =	vadd.f32 v1, v0;
	v1 =	vmul.f32 v2, v4;
	v2 =	vmul.f32 v3, v5;
	_ =	sdelay $0x1  }
0x1d3: {  	v0 =	vadd.f32 v1, v0;
	v1 =	vmul.f32 v2, v7;
	_ =	sdelay $0x1  }
0x1d4: {  	v0 =	vadd.f32 v1, v0;
	_ =	sdelay $0x1  }
0x1d5: {  	s8 =	simm.s32 $0x16180;
	[tilespmem:$0x16990] =	vst v0  }
0x1d6: {  	[tilespmem:s8], [sflag:$0x5] =	stream.linear.gather [spmem:s28], $0x400, $0x38;
	[tilespmem:$0x16A00] =	vst v63  }
0x1d7: {  	_ =	swait.ge [sflag:s12], $0x400  }
0x1d8: {  	[sflag:s12] =	ssyncset.done $0x0  }
0x1d9: {  	s9 =	simm.s32 $0x0;
	[sflag:s12] =	ssyncadd.s32 $0xFFFFFC00  }
0x1da: {  	v0 =	vld [tilespmem:s9+$0x16580];
	_ =	sdelay $0x4  }
0x1db: {  	v0 =	vmax.f32 v0, $1.000000000e+00  }
0x1dc: {  	(erf) = vrcp.f32 v0;
	_ =	sdelay $0x1  }
0x1dd: {  	s25 =	simm.s32 $0x10  }
0x1de: {  	v0 =	vld [tilespmem:s25+$0x16580];
	_ =	sdelay $0x4  }
0x1df: {  	s29 =	simm.s32 $0x20;
	v3 =	vld [tilespmem:s9+$0x16180];
	v1 =	vmax.f32 v0, $1.000000000e+00  }
0x1e0: {  	v2 =	vld [tilespmem:s29+$0x16580];
	v4 =	vpop (erf);
	(erf) = vrcp.f32 v1  }
0x1e1: {  	v1 =	vld [tilespmem:s9+$0x15D80];
	_ =	sdelay $0x2  }
0x1e2: {  	s8 =	simm.s32 $0xC0;
	v0 =	vimm.f32 $0.0e+00;
	v3 =	vmul.f32 v4, v3  }
.LBB2_17:
0x1e3: {  	s9 =	sshra.s32 s8, $0x2;
	p5 =	sne.s32 s8, $0xFC0;
	s8 =	sadd.s32 $0x40, s8;
	v4 =	vmax.f32 v2, $1.000000000e+00;
	v5 =	vld [tilespmem:s25+$0x16180]  }
.Ltmp10:
0x1e4: {  	v2 =	vld [tilespmem:s9+$0x16580];
	(erf) = vrcp.f32 v4;
	v4 =	vmul.f32 v3, v1;
	(pc) =	sbr.rel @p5 .LBB2_17-.Ltmp10, $4  }
0x1e5: {  	v1 =	vld [tilespmem:s25+$0x15D80];
	s25 =	smov.u32 s29;
	s29 =	smov.u32 s9  }
0x1e6: {  	v0 =	vadd.f32 v4, v0  }
0x1e7: {  	v3 =	vpop (erf)  }
0x1e8: {  	v3 =	vmul.f32 v3, v5  }
.Ltmp11:
0x1e9: {  	_ = 	snop;
	(pc) =	sbr.rel .LBB2_18-.Ltmp11, $1  }
0x1ea: {  	_ =	sdelay $0x3  }
.LBB2_20:
0x1eb: {  	_ =	sfence.sel $0x180000  }
0x1ec: {  	[bflag:$0x0] =	sbarrier.arrive $0xFFFF  }
0x1ed: {  	_ =	strace $0x90000047  }
0x1ee: {  	[bflag:$0x2] =	sbarrier.arrive $0xFFFF  }
0x1ef: {  	s0 =	rddreg [dreg:$0xa]  }
0x1f0: {  	s0 =	sadd.s32 @!p3 $0x100000, s0  }
0x1f1: {  	[sflag:s0] =	ssyncadd.tile.s32 @!p3 $0x1;
	_ =	shalt  }
.Lfunc_end2:
_tile_overlayer_lowered:
.L_overlay_start_2:
0x1f2: {  	(tag) =	ssettag $0x2  }
0x1f3: {  	s0 =	rddreg [dreg:$0x0];
	s2 =	stileid.u32  }
0x1f4: {  	s1 =	rddreg [dreg:$0x1];
	p0 =	sne.s32 s2, $0x0  }
0x1f5: {  	s3 =	rddreg [dreg:$0x2];
	[bflag:$0x3] =	sbarrier.arrive $0xFFFF;
	s2 =	simm.s32 @!p0 $0x1C05  }
0x1f6: {  	[timem:s3], [sflag:s2] =	dma.local @!p0 [hbm:s0], s1  }
0x1f7: {  	s0 =	simm.s32 @!p0 $0x5  }
0x1f8: {  	_ =	swait.ge @!p0 [sflag:s0], s1  }
0x1f9: {  	s1 =	ssub.s32 @!p0 $0x0, s1;
	[sflag:s0] =	ssyncset.done @!p0 $0x0  }
0x1fa: {  	[sflag:s0] =	ssyncadd.s32 @!p0 s1  }
0x1fb: {  	[bflag:$0x3] =	sbarrier.arrive $0xFFFF  }
0x1fc: {  	_ =	shalt  }

</sc_bundles>
